<compile_context>
chip_gen: v7x
topology: tpu7x:2x2x1
jax: 0.10.2.dev20260603
libtpu: 0.0.44.dev20260713+nightly
codegen_flags: <defaults>
</compile_context>

<pallas_src>
import functools

import jax
import jax.numpy as jnp
from jax import lax
from jax.experimental import pallas as pl
from jax.experimental.pallas import tpu as pltpu
from jax.experimental.pallas import tpu_sc as plsc

N_NODES = 10000
N_EDGES = 320000
D = 128
G = 80
NG = N_EDGES // G
NC = 2
NS = 16
GROUPS_PER_CORE = NG // NC
GROUPS_PER_SUB = -(-GROUPS_PER_CORE // NS)
NPAD = 10240
ROWS_PER_SUB = NPAD // NS


def _sc_segment_sum(nbr_feat, idx1d):
    mesh = plsc.VectorSubcoreMesh(core_axis_name="c", subcore_axis_name="s")

    @functools.partial(
        pl.kernel,
        out_type=(
            jax.ShapeDtypeStruct((NC, NPAD, D), jnp.float32),
            jax.ShapeDtypeStruct((NC, NPAD), jnp.float32),
        ),
        mesh=mesh,
        scratch_types=[
            pltpu.VMEM((3, G), jnp.int32),
            pltpu.VMEM((3, G, D), jnp.float32),
            pltpu.VMEM((ROWS_PER_SUB,), jnp.float32),
            pltpu.VMEM((G,), jnp.float32),
            pltpu.VMEM_SHARED((NPAD, D), jnp.float32),
            pltpu.VMEM_SHARED((NPAD,), jnp.float32),
            pltpu.SemaphoreType.DMA,
            pltpu.SemaphoreType.DMA,
            pltpu.SemaphoreType.DMA,
            pltpu.SemaphoreType.DMA,
            pltpu.SemaphoreType.DMA,
            pltpu.SemaphoreType.DMA,
        ],
    )
    def k(nbr_hbm, idx_hbm, psum_hbm, pcnt_hbm,
          idx_v, row_v, zc_v, ones_v, acc_sh, cnt_sh,
          dsem0, dsem1, dsem2, ssem0, ssem1, ssem2):
        c = lax.axis_index("c")
        s = lax.axis_index("s")
        zeros16 = jnp.zeros((16,), jnp.float32)
        ones16 = jnp.full((16,), 1.0, jnp.float32)
        sems_d = (dsem0, dsem1, dsem2)
        sems_s = (ssem0, ssem1, ssem2)

        def z_row(r, carry):
            for kk in range(D // 16):
                row_v[0, r, pl.ds(kk * 16, 16)] = zeros16
            return carry
        lax.fori_loop(0, G, z_row, None)

        def z_cnt(i, carry):
            zc_v[pl.ds(i * 16, 16)] = zeros16
            return carry
        lax.fori_loop(0, ROWS_PER_SUB // 16, z_cnt, None)

        for kk in range(G // 16):
            ones_v[pl.ds(kk * 16, 16)] = ones16

        base = s * ROWS_PER_SUB
        for j in range(ROWS_PER_SUB // G):
            pltpu.sync_copy(row_v.at[0], acc_sh.at[pl.ds(base + j * G, G)])
        pltpu.sync_copy(zc_v, cnt_sh.at[pl.ds(base, ROWS_PER_SUB)])
        plsc.subcore_barrier()

        def pred(t):
            return ((t < GROUPS_PER_SUB)
                    & (s * GROUPS_PER_SUB + t < GROUPS_PER_CORE))

        def start(t, b):
            @pl.when(pred(t))
            def _():
                gid = c * GROUPS_PER_CORE + s * GROUPS_PER_SUB + t
                pltpu.async_copy(idx_hbm.at[pl.ds(gid * G, G)], idx_v.at[b],
                                 sems_d[b])
                pltpu.async_copy(nbr_hbm.at[pl.ds(gid * G, G)], row_v.at[b],
                                 sems_d[b])

        def issue(t, b):
            @pl.when(pred(t))
            def _():
                pltpu.make_async_copy(idx_hbm.at[pl.ds(0, G)], idx_v.at[b],
                                      sems_d[b]).wait()
                pltpu.make_async_copy(nbr_hbm.at[pl.ds(0, G)], row_v.at[b],
                                      sems_d[b]).wait()
                pltpu.async_copy(row_v.at[b], acc_sh.at[idx_v.at[b]],
                                 sems_s[b], add=True)
                pltpu.async_copy(ones_v, cnt_sh.at[idx_v.at[b]],
                                 sems_s[b], add=True)

        def wait_scat(t, b):
            @pl.when((t >= 0) & pred(t))
            def _():
                pltpu.make_async_copy(row_v.at[b], acc_sh.at[idx_v.at[b]],
                                      sems_s[b]).wait()
                pltpu.make_async_copy(ones_v, cnt_sh.at[idx_v.at[b]],
                                      sems_s[b]).wait()

        start(0, 0)
        start(1, 1)

        def superstep(q, carry):
            t0 = 3 * q
            for j in range(3):
                t = t0 + j
                bn = (j + 2) % 3
                issue(t, j)
                wait_scat(t - 1, bn)
                start(t + 2, bn)
            return carry
        lax.fori_loop(0, (GROUPS_PER_SUB + 4) // 3, superstep, None)
        plsc.subcore_barrier()

        pltpu.async_copy(acc_sh.at[pl.ds(base, ROWS_PER_SUB)],
                         psum_hbm.at[c, pl.ds(base, ROWS_PER_SUB)], dsem0)
        pltpu.async_copy(cnt_sh.at[pl.ds(base, ROWS_PER_SUB)],
                         pcnt_hbm.at[c, pl.ds(base, ROWS_PER_SUB)], dsem1)
        pltpu.make_async_copy(acc_sh.at[pl.ds(base, ROWS_PER_SUB)],
                              psum_hbm.at[c, pl.ds(base, ROWS_PER_SUB)],
                              dsem0).wait()
        pltpu.make_async_copy(cnt_sh.at[pl.ds(base, ROWS_PER_SUB)],
                              pcnt_hbm.at[c, pl.ds(base, ROWS_PER_SUB)],
                              dsem1).wait()

    return k(nbr_feat, idx1d)


def _self_body(self_ref, w_ref, o_ref):
    o_ref[...] = jnp.dot(self_ref[...], w_ref[...],
                         preferred_element_type=jnp.float32)


def _self_matmul(self_feat, W):
    B = 1024
    return pl.pallas_call(
        _self_body,
        grid=(NPAD // B,),
        in_specs=[
            pl.BlockSpec((B, D), lambda i: (i, 0)),
            pl.BlockSpec((D, D), lambda i: (0, 0)),
        ],
        out_specs=pl.BlockSpec((B, D), lambda i: (i, 0)),
        out_shape=jax.ShapeDtypeStruct((N_NODES, D), jnp.float32),
    )(self_feat, W)


def _tc_body(base_ref, psum_ref, pcnt_ref, w_ref, o_ref):
    i = pl.program_id(0)
    p = psum_ref[0] + psum_ref[1]
    cnt = (pcnt_ref[0, pl.ds(i * 1024, 1024)]
           + pcnt_ref[1, pl.ds(i * 1024, 1024)])
    agg = p * (1.0 / jnp.maximum(cnt, 1.0))[:, None]
    o_ref[...] = base_ref[...] + jnp.dot(agg, w_ref[...],
                                         preferred_element_type=jnp.float32)


def _tc_epilogue(base, psum, pcnt, W):
    B = 1024
    grid = (NPAD // B,)
    return pl.pallas_call(
        _tc_body,
        grid=grid,
        in_specs=[
            pl.BlockSpec((B, D), lambda i: (i, 0)),
            pl.BlockSpec((NC, B, D), lambda i: (0, i, 0)),
            pl.BlockSpec((NC, NPAD), lambda i: (0, 0)),
            pl.BlockSpec((D, D), lambda i: (1, 0)),
        ],
        out_specs=pl.BlockSpec((B, D), lambda i: (i, 0)),
        out_shape=jax.ShapeDtypeStruct((N_NODES, D), jnp.float32),
    )(base, psum, pcnt, W)


def kernel(self_feat, nbr_feat, relation_src_indices, W):
    idx1d = relation_src_indices.astype(jnp.int32)
    psum, pcnt = _sc_segment_sum(nbr_feat, idx1d)
    base = _self_matmul(self_feat, W)
    out = _tc_epilogue(base, psum, pcnt, W)
    return out

# --- scband reference (transcript-rebuilt; emitter-appended) ---
"""Pipeline reference for scband-mean-aggregator-sparse-54863912239169 (READ-ONLY COPY).

The authoritative reference and input builder live on the scoring server;
editing this copy changes nothing except your own understanding.
"""

import jax, jax.numpy as jnp
import numpy as np

N_NODES = 10000
N_EDGES = 320000
D_FEAT = 128
OUT_DIM = 128


def setup_inputs(seed: int = 0) -> dict:
    key = jax.random.key(seed)
    k1, k2, k3, k4 = jax.random.split(key, 4)
    self_feat = jax.random.normal(k1, (N_NODES, D_FEAT), dtype=jnp.float32)
    nbr_feat = jax.random.normal(k2, (N_EDGES, D_FEAT), dtype=jnp.float32)
    relation_src_indices = jax.random.randint(k3, (N_EDGES,), 0, N_NODES, dtype=jnp.int64)
    # Dense kernel: concat doubles the feature dim (use_concat_in_aggregator=True), no bias
    limit = np.sqrt(6.0 / (2 * D_FEAT + OUT_DIM))
    W = jax.random.uniform(k4, (2 * D_FEAT, OUT_DIM), dtype=jnp.float32, minval=-limit, maxval=limit)
    return {"self_feat": self_feat, "nbr_feat": nbr_feat, "relation_src_indices": relation_src_indices, "W": W}


def _unsorted_segment_mean(data, segment_ids, num_segments):
    seg_sum = jax.ops.segment_sum(data, segment_ids, num_segments=num_segments)
    counts = jax.ops.segment_sum(jnp.ones((data.shape[0],), dtype=data.dtype), segment_ids, num_segments=num_segments)
    # TF unsorted_segment_mean yields 0 for empty segments; sum is already 0 there
    return seg_sum / jnp.maximum(counts, 1.0)[:, None]


def reference(self_feat, nbr_feat, relation_src_indices, W):
    num_nodes = self_feat.shape[0]
    agg_feat = _unsorted_segment_mean(nbr_feat, relation_src_indices, num_nodes)
    output = jnp.concatenate([self_feat, agg_feat], axis=-1)
    return output @ W

if __name__ == "__main__":
    import jax
    _d = setup_inputs()
    print(jax.jit(kernel)(*tuple(_d.values())))

</pallas_src>

<mosaic_0001>
#map = affine_map<(d0, d1) -> (0, 0)>
#map1 = affine_map<(d0, d1) -> (0)>
#map2 = affine_map<(d0, d1) -> (0, 0, 0)>
module attributes {stable_mosaic.version = 14 : i64} {
  func.func @k(%arg0: i32, %arg1: i32, %arg2: memref<320000x128xf32, #tpu.memory_space<hbm>>, %arg3: memref<320000xi32, #tpu.memory_space<hbm>>, %arg4: memref<2x10240x128xf32, #tpu.memory_space<hbm>>, %arg5: memref<2x10240xf32, #tpu.memory_space<hbm>>, %arg6: memref<3x80xi32, #tpu.memory_space<vmem>>, %arg7: memref<3x80x128xf32, #tpu.memory_space<vmem>>, %arg8: memref<640xf32, #tpu.memory_space<vmem>>, %arg9: memref<80xf32, #tpu.memory_space<vmem>>, %arg10: memref<10240x128xf32, #tpu.memory_space<vmem_shared>>, %arg11: memref<10240xf32, #tpu.memory_space<vmem_shared>>, %arg12: memref<!tpu.dma_semaphore, #tpu.memory_space<semaphore_mem>>, %arg13: memref<!tpu.dma_semaphore, #tpu.memory_space<semaphore_mem>>, %arg14: memref<!tpu.dma_semaphore, #tpu.memory_space<semaphore_mem>>, %arg15: memref<!tpu.dma_semaphore, #tpu.memory_space<semaphore_mem>>, %arg16: memref<!tpu.dma_semaphore, #tpu.memory_space<semaphore_mem>>, %arg17: memref<!tpu.dma_semaphore, #tpu.memory_space<semaphore_mem>>) attributes {dimension_semantics = [#tpu.dimension_semantics<core_parallel>, #tpu.dimension_semantics<subcore_parallel>], iteration_bounds = array<i64: 2, 16>, scalar_prefetch = 0 : i64, scratch_operands = 12 : i64, tpu.core_type = #tpu.core_type<sc_vector_subcore>, window_params = [{transform_indices = #map}, {transform_indices = #map1}, {transform_indices = #map2}, {transform_indices = #map}]} {
    %broadcast_in_dim3A = arith.constant 0.000000e+00 : f32
    %broadcast_in_dim3A_0 = vector.broadcast %broadcast_in_dim3A : f32 to vector<16xf32>
    %broadcast_in_dim3A_1 = arith.constant 1.000000e+00 : f32
    %broadcast_in_dim3A_2 = vector.broadcast %broadcast_in_dim3A_1 : f32 to vector<16xf32>
    %scan3A = arith.constant 0 : i32
    %scan3A_3 = arith.constant 80 : i32
    %scan3A_4 = arith.addi %scan3A, %scan3A_3 : i32
    %scan3A_5 = arith.constant 1 : i32
    scf.for %scan3A_92 = %scan3A to %scan3A_4 step %scan3A_5  : i32 {
      %swap3A_93 = arith.constant 0 : i32
      %swap3A_94 = arith.index_cast %swap3A_93 : i32 to index
      %swap3A_95 = arith.index_cast %scan3A_92 : i32 to index
      %swap3A_96 = arith.constant 0 : index
      %swap3A_97 = tpu.vector_load %arg7[%swap3A_94, %swap3A_95, %swap3A_96] {strides = array<i32>} : memref<3x80x128xf32, #tpu.memory_space<vmem>>, vector<1x1x16xf32>,
      %swap3A_98 = vector.shape_cast %swap3A_97 : vector<1x1x16xf32> to vector<16xf32>
      %swap3A_99 = vector.shape_cast %broadcast_in_dim3A_0 : vector<16xf32> to vector<1x1x16xf32>
      tpu.vector_store %arg7[%swap3A_94, %swap3A_95, %swap3A_96], %swap3A_99 {strides = array<i32>} : memref<3x80x128xf32, #tpu.memory_space<vmem>>, vector<1x1x16xf32>,
      %swap3A_100 = arith.constant 0 : i32
      %swap3A_101 = arith.index_cast %swap3A_100 : i32 to index
      %swap3A_102 = arith.index_cast %scan3A_92 : i32 to index
      %swap3A_103 = arith.constant 16 : index
      %swap3A_104 = tpu.vector_load %arg7[%swap3A_101, %swap3A_102, %swap3A_103] {strides = array<i32>} : memref<3x80x128xf32, #tpu.memory_space<vmem>>, vector<1x1x16xf32>,
      %swap3A_105 = vector.shape_cast %swap3A_104 : vector<1x1x16xf32> to vector<16xf32>
      %swap3A_106 = vector.shape_cast %broadcast_in_dim3A_0 : vector<16xf32> to vector<1x1x16xf32>
      tpu.vector_store %arg7[%swap3A_101, %swap3A_102, %swap3A_103], %swap3A_106 {strides = array<i32>} : memref<3x80x128xf32, #tpu.memory_space<vmem>>, vector<1x1x16xf32>,
      %swap3A_107 = arith.constant 0 : i32
      %swap3A_108 = arith.index_cast %swap3A_107 : i32 to index
      %swap3A_109 = arith.index_cast %scan3A_92 : i32 to index
      %swap3A_110 = arith.constant 32 : index
      %swap3A_111 = tpu.vector_load %arg7[%swap3A_108, %swap3A_109, %swap3A_110] {strides = array<i32>} : memref<3x80x128xf32, #tpu.memory_space<vmem>>, vector<1x1x16xf32>,
      %swap3A_112 = vector.shape_cast %swap3A_111 : vector<1x1x16xf32> to vector<16xf32>
      %swap3A_113 = vector.shape_cast %broadcast_in_dim3A_0 : vector<16xf32> to vector<1x1x16xf32>
      tpu.vector_store %arg7[%swap3A_108, %swap3A_109, %swap3A_110], %swap3A_113 {strides = array<i32>} : memref<3x80x128xf32, #tpu.memory_space<vmem>>, vector<1x1x16xf32>,
      %swap3A_114 = arith.constant 0 : i32
      %swap3A_115 = arith.index_cast %swap3A_114 : i32 to index
      %swap3A_116 = arith.index_cast %scan3A_92 : i32 to index
      %swap3A_117 = arith.constant 48 : index
      %swap3A_118 = tpu.vector_load %arg7[%swap3A_115, %swap3A_116, %swap3A_117] {strides = array<i32>} : memref<3x80x128xf32, #tpu.memory_space<vmem>>, vector<1x1x16xf32>,
      %swap3A_119 = vector.shape_cast %swap3A_118 : vector<1x1x16xf32> to vector<16xf32>
      %swap3A_120 = vector.shape_cast %broadcast_in_dim3A_0 : vector<16xf32> to vector<1x1x16xf32>
      tpu.vector_store %arg7[%swap3A_115, %swap3A_116, %swap3A_117], %swap3A_120 {strides = array<i32>} : memref<3x80x128xf32, #tpu.memory_space<vmem>>, vector<1x1x16xf32>,
      %swap3A_121 = arith.constant 0 : i32
      %swap3A_122 = arith.index_cast %swap3A_121 : i32 to index
      %swap3A_123 = arith.index_cast %scan3A_92 : i32 to index
      %swap3A_124 = arith.constant 64 : index
      %swap3A_125 = tpu.vector_load %arg7[%swap3A_122, %swap3A_123, %swap3A_124] {strides = array<i32>} : memref<3x80x128xf32, #tpu.memory_space<vmem>>, vector<1x1x16xf32>,
      %swap3A_126 = vector.shape_cast %swap3A_125 : vector<1x1x16xf32> to vector<16xf32>
      %swap3A_127 = vector.shape_cast %broadcast_in_dim3A_0 : vector<16xf32> to vector<1x1x16xf32>
      tpu.vector_store %arg7[%swap3A_122, %swap3A_123, %swap3A_124], %swap3A_127 {strides = array<i32>} : memref<3x80x128xf32, #tpu.memory_space<vmem>>, vector<1x1x16xf32>,
      %swap3A_128 = arith.constant 0 : i32
      %swap3A_129 = arith.index_cast %swap3A_128 : i32 to index
      %swap3A_130 = arith.index_cast %scan3A_92 : i32 to index
      %swap3A_131 = arith.constant 80 : index
      %swap3A_132 = tpu.vector_load %arg7[%swap3A_129, %swap3A_130, %swap3A_131] {strides = array<i32>} : memref<3x80x128xf32, #tpu.memory_space<vmem>>, vector<1x1x16xf32>,
      %swap3A_133 = vector.shape_cast %swap3A_132 : vector<1x1x16xf32> to vector<16xf32>
      %swap3A_134 = vector.shape_cast %broadcast_in_dim3A_0 : vector<16xf32> to vector<1x1x16xf32>
      tpu.vector_store %arg7[%swap3A_129, %swap3A_130, %swap3A_131], %swap3A_134 {strides = array<i32>} : memref<3x80x128xf32, #tpu.memory_space<vmem>>, vector<1x1x16xf32>,
      %swap3A_135 = arith.constant 0 : i32
      %swap3A_136 = arith.index_cast %swap3A_135 : i32 to index
      %swap3A_137 = arith.index_cast %scan3A_92 : i32 to index
      %swap3A_138 = arith.constant 96 : index
      %swap3A_139 = tpu.vector_load %arg7[%swap3A_136, %swap3A_137, %swap3A_138] {strides = array<i32>} : memref<3x80x128xf32, #tpu.memory_space<vmem>>, vector<1x1x16xf32>,
      %swap3A_140 = vector.shape_cast %swap3A_139 : vector<1x1x16xf32> to vector<16xf32>
      %swap3A_141 = vector.shape_cast %broadcast_in_dim3A_0 : vector<16xf32> to vector<1x1x16xf32>
      tpu.vector_store %arg7[%swap3A_136, %swap3A_137, %swap3A_138], %swap3A_141 {strides = array<i32>} : memref<3x80x128xf32, #tpu.memory_space<vmem>>, vector<1x1x16xf32>,
      %swap3A_142 = arith.constant 0 : i32
      %swap3A_143 = arith.index_cast %swap3A_142 : i32 to index
      %swap3A_144 = arith.index_cast %scan3A_92 : i32 to index
      %swap3A_145 = arith.constant 112 : index
      %swap3A_146 = tpu.vector_load %arg7[%swap3A_143, %swap3A_144, %swap3A_145] {strides = array<i32>} : memref<3x80x128xf32, #tpu.memory_space<vmem>>, vector<1x1x16xf32>,
      %swap3A_147 = vector.shape_cast %swap3A_146 : vector<1x1x16xf32> to vector<16xf32>
      %swap3A_148 = vector.shape_cast %broadcast_in_dim3A_0 : vector<16xf32> to vector<1x1x16xf32>
      tpu.vector_store %arg7[%swap3A_143, %swap3A_144, %swap3A_145], %swap3A_148 {strides = array<i32>} : memref<3x80x128xf32, #tpu.memory_space<vmem>>, vector<1x1x16xf32>,
    }
    %scan3A_6 = arith.constant 80 : i32
    %scan3A_7 = arith.constant 0 : i32
    %scan3A_8 = arith.constant 40 : i32
    %scan3A_9 = arith.addi %scan3A_7, %scan3A_8 : i32
    %scan3A_10 = arith.constant 1 : i32
    scf.for %scan3A_92 = %scan3A_7 to %scan3A_9 step %scan3A_10  : i32 {
      %mul3A_93 = arith.constant 16 : i32
      %mul3A_94 = arith.muli %scan3A_92, %mul3A_93 : i32
      %swap3A_95 = arith.index_cast %mul3A_94 : i32 to index
      %swap3A_96 = tpu.vector_load %arg8[%swap3A_95] {strides = array<i32>} : memref<640xf32, #tpu.memory_space<vmem>>, vector<16xf32>,
      %swap3A_97 = vector.shape_cast %swap3A_96 : vector<16xf32> to vector<16xf32>
      %swap3A_98 = vector.shape_cast %broadcast_in_dim3A_0 : vector<16xf32> to vector<16xf32>
      tpu.vector_store %arg8[%swap3A_95], %swap3A_98 {strides = array<i32>} : memref<640xf32, #tpu.memory_space<vmem>>, vector<16xf32>,
    }
    %scan3A_11 = arith.constant 40 : i32
    %swap3A = arith.constant 0 : index
    %swap3A_12 = tpu.vector_load %arg9[%swap3A] {strides = array<i32>} : memref<80xf32, #tpu.memory_space<vmem>>, vector<16xf32>,
    %swap3A_13 = vector.shape_cast %swap3A_12 : vector<16xf32> to vector<16xf32>
    %swap3A_14 = vector.shape_cast %broadcast_in_dim3A_2 : vector<16xf32> to vector<16xf32>
    tpu.vector_store %arg9[%swap3A], %swap3A_14 {strides = array<i32>} : memref<80xf32, #tpu.memory_space<vmem>>, vector<16xf32>,
    %swap3A_15 = arith.constant 16 : index
    %swap3A_16 = tpu.vector_load %arg9[%swap3A_15] {strides = array<i32>} : memref<80xf32, #tpu.memory_space<vmem>>, vector<16xf32>,
    %swap3A_17 = vector.shape_cast %swap3A_16 : vector<16xf32> to vector<16xf32>
    %swap3A_18 = vector.shape_cast %broadcast_in_dim3A_2 : vector<16xf32> to vector<16xf32>
    tpu.vector_store %arg9[%swap3A_15], %swap3A_18 {strides = array<i32>} : memref<80xf32, #tpu.memory_space<vmem>>, vector<16xf32>,
    %swap3A_19 = arith.constant 32 : index
    %swap3A_20 = tpu.vector_load %arg9[%swap3A_19] {strides = array<i32>} : memref<80xf32, #tpu.memory_space<vmem>>, vector<16xf32>,
    %swap3A_21 = vector.shape_cast %swap3A_20 : vector<16xf32> to vector<16xf32>
    %swap3A_22 = vector.shape_cast %broadcast_in_dim3A_2 : vector<16xf32> to vector<16xf32>
    tpu.vector_store %arg9[%swap3A_19], %swap3A_22 {strides = array<i32>} : memref<80xf32, #tpu.memory_space<vmem>>, vector<16xf32>,
    %swap3A_23 = arith.constant 48 : index
    %swap3A_24 = tpu.vector_load %arg9[%swap3A_23] {strides = array<i32>} : memref<80xf32, #tpu.memory_space<vmem>>, vector<16xf32>,
    %swap3A_25 = vector.shape_cast %swap3A_24 : vector<16xf32> to vector<16xf32>
    %swap3A_26 = vector.shape_cast %broadcast_in_dim3A_2 : vector<16xf32> to vector<16xf32>
    tpu.vector_store %arg9[%swap3A_23], %swap3A_26 {strides = array<i32>} : memref<80xf32, #tpu.memory_space<vmem>>, vector<16xf32>,
    %swap3A_27 = arith.constant 64 : index
    %swap3A_28 = tpu.vector_load %arg9[%swap3A_27] {strides = array<i32>} : memref<80xf32, #tpu.memory_space<vmem>>, vector<16xf32>,
    %swap3A_29 = vector.shape_cast %swap3A_28 : vector<16xf32> to vector<16xf32>
    %swap3A_30 = vector.shape_cast %broadcast_in_dim3A_2 : vector<16xf32> to vector<16xf32>
    tpu.vector_store %arg9[%swap3A_27], %swap3A_30 {strides = array<i32>} : memref<80xf32, #tpu.memory_space<vmem>>, vector<16xf32>,
    %mul3A = arith.constant 640 : i32
    %mul3A_31 = arith.muli %arg1, %mul3A : i32
    %add3A = arith.constant 0 : i32
    %add3A_32 = arith.addi %mul3A_31, %add3A : i32
    %run_scoped3A = arith.constant 0 : i32
    "tpu.region"() ({
      %run_scoped3A_92 = tpu.sem_alloc : memref<!tpu.dma_semaphore, #tpu.memory_space<semaphore_mem>>
      %dma_start3A_93 = arith.constant 0 : i32
      %dma_start3A_94 = arith.constant 0 : i32
      %dma_start3A_95 = tpu.memref_slice %arg7[%run_scoped3A, %dma_start3A_93, %dma_start3A_94] : memref<3x80x128xf32, #tpu.memory_space<vmem>> -> memref<1x80x128xf32, #tpu.memory_space<vmem>>
      %dma_start3A_96 = tpu.memref_squeeze %dma_start3A_95 : memref<1x80x128xf32, #tpu.memory_space<vmem>> -> memref<80x128xf32, #tpu.memory_space<vmem>>
      %dma_start3A_97 = arith.constant 0 : i32
      %dma_start3A_98 = tpu.memref_slice %arg10[%add3A_32, %dma_start3A_97] : memref<10240x128xf32, #tpu.memory_space<vmem_shared>> -> memref<80x128xf32, #tpu.memory_space<vmem_shared>>
      %dma_start3A_99 = arith.constant 0 : i32
      %dma_start3A_100 = tpu.memref_slice %arg10[%add3A_32, %dma_start3A_99] : memref<10240x128xf32, #tpu.memory_space<vmem_shared>> -> memref<80x128xf32, #tpu.memory_space<vmem_shared>>
      %dma_start3A_101 = arith.constant 0 : i32
      %dma_start3A_102 = arith.constant 0 : i32
      %dma_start3A_103 = tpu.memref_slice %arg7[%run_scoped3A, %dma_start3A_101, %dma_start3A_102] : memref<3x80x128xf32, #tpu.memory_space<vmem>> -> memref<1x80x128xf32, #tpu.memory_space<vmem>>
      %dma_start3A_104 = tpu.memref_squeeze %dma_start3A_103 : memref<1x80x128xf32, #tpu.memory_space<vmem>> -> memref<80x128xf32, #tpu.memory_space<vmem>>
      tpu.enqueue_dma source(%dma_start3A_104 : memref<80x128xf32, #tpu.memory_space<vmem>>) target(%dma_start3A_100 : memref<80x128xf32, #tpu.memory_space<vmem_shared>>) target_semaphore(%run_scoped3A_92 : memref<!tpu.dma_semaphore, #tpu.memory_space<semaphore_mem>>)
      %dma_wait3A_105 = arith.constant 0 : i32
      %dma_wait3A_106 = arith.constant 0 : i32
      %dma_wait3A_107 = tpu.memref_slice %arg7[%run_scoped3A, %dma_wait3A_105, %dma_wait3A_106] : memref<3x80x128xf32, #tpu.memory_space<vmem>> -> memref<1x80x128xf32, #tpu.memory_space<vmem>>
      %dma_wait3A_108 = tpu.memref_squeeze %dma_wait3A_107 : memref<1x80x128xf32, #tpu.memory_space<vmem>> -> memref<80x128xf32, #tpu.memory_space<vmem>>
      %dma_wait3A_109 = arith.constant 0 : i32
      %dma_wait3A_110 = tpu.memref_slice %arg10[%add3A_32, %dma_wait3A_109] : memref<10240x128xf32, #tpu.memory_space<vmem_shared>> -> memref<80x128xf32, #tpu.memory_space<vmem_shared>>
      %dma_wait3A_111 = arith.constant 0 : i32
      %dma_wait3A_112 = tpu.memref_slice %arg10[%add3A_32, %dma_wait3A_111] : memref<10240x128xf32, #tpu.memory_space<vmem_shared>> -> memref<80x128xf32, #tpu.memory_space<vmem_shared>>
      %dma_wait3A_113 = arith.constant 0 : i32
      %dma_wait3A_114 = arith.constant 0 : i32
      %dma_wait3A_115 = tpu.memref_slice %arg7[%run_scoped3A, %dma_wait3A_113, %dma_wait3A_114] : memref<3x80x128xf32, #tpu.memory_space<vmem>> -> memref<1x80x128xf32, #tpu.memory_space<vmem>>
      %dma_wait3A_116 = tpu.memref_squeeze %dma_wait3A_115 : memref<1x80x128xf32, #tpu.memory_space<vmem>> -> memref<80x128xf32, #tpu.memory_space<vmem>>
      tpu.wait_dma2 semaphore(%run_scoped3A_92 : memref<!tpu.dma_semaphore, #tpu.memory_space<semaphore_mem>>) src(%dma_wait3A_116 : memref<80x128xf32, #tpu.memory_space<vmem>>) dst(%dma_wait3A_112 : memref<80x128xf32, #tpu.memory_space<vmem_shared>>)
      tpu.yield
    }) : () -> ()
    %add3A_33 = arith.constant 80 : i32
    %add3A_34 = arith.addi %mul3A_31, %add3A_33 : i32
    %run_scoped3A_35 = arith.constant 0 : i32
    "tpu.region"() ({
      %run_scoped3A_92 = tpu.sem_alloc : memref<!tpu.dma_semaphore, #tpu.memory_space<semaphore_mem>>
      %dma_start3A_93 = arith.constant 0 : i32
      %dma_start3A_94 = arith.constant 0 : i32
      %dma_start3A_95 = tpu.memref_slice %arg7[%run_scoped3A_35, %dma_start3A_93, %dma_start3A_94] : memref<3x80x128xf32, #tpu.memory_space<vmem>> -> memref<1x80x128xf32, #tpu.memory_space<vmem>>
      %dma_start3A_96 = tpu.memref_squeeze %dma_start3A_95 : memref<1x80x128xf32, #tpu.memory_space<vmem>> -> memref<80x128xf32, #tpu.memory_space<vmem>>
      %dma_start3A_97 = arith.constant 0 : i32
      %dma_start3A_98 = tpu.memref_slice %arg10[%add3A_34, %dma_start3A_97] : memref<10240x128xf32, #tpu.memory_space<vmem_shared>> -> memref<80x128xf32, #tpu.memory_space<vmem_shared>>
      %dma_start3A_99 = arith.constant 0 : i32
      %dma_start3A_100 = tpu.memref_slice %arg10[%add3A_34, %dma_start3A_99] : memref<10240x128xf32, #tpu.memory_space<vmem_shared>> -> memref<80x128xf32, #tpu.memory_space<vmem_shared>>
      %dma_start3A_101 = arith.constant 0 : i32
      %dma_start3A_102 = arith.constant 0 : i32
      %dma_start3A_103 = tpu.memref_slice %arg7[%run_scoped3A_35, %dma_start3A_101, %dma_start3A_102] : memref<3x80x128xf32, #tpu.memory_space<vmem>> -> memref<1x80x128xf32, #tpu.memory_space<vmem>>
      %dma_start3A_104 = tpu.memref_squeeze %dma_start3A_103 : memref<1x80x128xf32, #tpu.memory_space<vmem>> -> memref<80x128xf32, #tpu.memory_space<vmem>>
      tpu.enqueue_dma source(%dma_start3A_104 : memref<80x128xf32, #tpu.memory_space<vmem>>) target(%dma_start3A_100 : memref<80x128xf32, #tpu.memory_space<vmem_shared>>) target_semaphore(%run_scoped3A_92 : memref<!tpu.dma_semaphore, #tpu.memory_space<semaphore_mem>>)
      %dma_wait3A_105 = arith.constant 0 : i32
      %dma_wait3A_106 = arith.constant 0 : i32
      %dma_wait3A_107 = tpu.memref_slice %arg7[%run_scoped3A_35, %dma_wait3A_105, %dma_wait3A_106] : memref<3x80x128xf32, #tpu.memory_space<vmem>> -> memref<1x80x128xf32, #tpu.memory_space<vmem>>
      %dma_wait3A_108 = tpu.memref_squeeze %dma_wait3A_107 : memref<1x80x128xf32, #tpu.memory_space<vmem>> -> memref<80x128xf32, #tpu.memory_space<vmem>>
      %dma_wait3A_109 = arith.constant 0 : i32
      %dma_wait3A_110 = tpu.memref_slice %arg10[%add3A_34, %dma_wait3A_109] : memref<10240x128xf32, #tpu.memory_space<vmem_shared>> -> memref<80x128xf32, #tpu.memory_space<vmem_shared>>
      %dma_wait3A_111 = arith.constant 0 : i32
      %dma_wait3A_112 = tpu.memref_slice %arg10[%add3A_34, %dma_wait3A_111] : memref<10240x128xf32, #tpu.memory_space<vmem_shared>> -> memref<80x128xf32, #tpu.memory_space<vmem_shared>>
      %dma_wait3A_113 = arith.constant 0 : i32
      %dma_wait3A_114 = arith.constant 0 : i32
      %dma_wait3A_115 = tpu.memref_slice %arg7[%run_scoped3A_35, %dma_wait3A_113, %dma_wait3A_114] : memref<3x80x128xf32, #tpu.memory_space<vmem>> -> memref<1x80x128xf32, #tpu.memory_space<vmem>>
      %dma_wait3A_116 = tpu.memref_squeeze %dma_wait3A_115 : memref<1x80x128xf32, #tpu.memory_space<vmem>> -> memref<80x128xf32, #tpu.memory_space<vmem>>
      tpu.wait_dma2 semaphore(%run_scoped3A_92 : memref<!tpu.dma_semaphore, #tpu.memory_space<semaphore_mem>>) src(%dma_wait3A_116 : memref<80x128xf32, #tpu.memory_space<vmem>>) dst(%dma_wait3A_112 : memref<80x128xf32, #tpu.memory_space<vmem_shared>>)
      tpu.yield
    }) : () -> ()
    %add3A_36 = arith.constant 160 : i32
    %add3A_37 = arith.addi %mul3A_31, %add3A_36 : i32
    %run_scoped3A_38 = arith.constant 0 : i32
    "tpu.region"() ({
      %run_scoped3A_92 = tpu.sem_alloc : memref<!tpu.dma_semaphore, #tpu.memory_space<semaphore_mem>>
      %dma_start3A_93 = arith.constant 0 : i32
      %dma_start3A_94 = arith.constant 0 : i32
      %dma_start3A_95 = tpu.memref_slice %arg7[%run_scoped3A_38, %dma_start3A_93, %dma_start3A_94] : memref<3x80x128xf32, #tpu.memory_space<vmem>> -> memref<1x80x128xf32, #tpu.memory_space<vmem>>
      %dma_start3A_96 = tpu.memref_squeeze %dma_start3A_95 : memref<1x80x128xf32, #tpu.memory_space<vmem>> -> memref<80x128xf32, #tpu.memory_space<vmem>>
      %dma_start3A_97 = arith.constant 0 : i32
      %dma_start3A_98 = tpu.memref_slice %arg10[%add3A_37, %dma_start3A_97] : memref<10240x128xf32, #tpu.memory_space<vmem_shared>> -> memref<80x128xf32, #tpu.memory_space<vmem_shared>>
      %dma_start3A_99 = arith.constant 0 : i32
      %dma_start3A_100 = tpu.memref_slice %arg10[%add3A_37, %dma_start3A_99] : memref<10240x128xf32, #tpu.memory_space<vmem_shared>> -> memref<80x128xf32, #tpu.memory_space<vmem_shared>>
      %dma_start3A_101 = arith.constant 0 : i32
      %dma_start3A_102 = arith.constant 0 : i32
      %dma_start3A_103 = tpu.memref_slice %arg7[%run_scoped3A_38, %dma_start3A_101, %dma_start3A_102] : memref<3x80x128xf32, #tpu.memory_space<vmem>> -> memref<1x80x128xf32, #tpu.memory_space<vmem>>
      %dma_start3A_104 = tpu.memref_squeeze %dma_start3A_103 : memref<1x80x128xf32, #tpu.memory_space<vmem>> -> memref<80x128xf32, #tpu.memory_space<vmem>>
      tpu.enqueue_dma source(%dma_start3A_104 : memref<80x128xf32, #tpu.memory_space<vmem>>) target(%dma_start3A_100 : memref<80x128xf32, #tpu.memory_space<vmem_shared>>) target_semaphore(%run_scoped3A_92 : memref<!tpu.dma_semaphore, #tpu.memory_space<semaphore_mem>>)
      %dma_wait3A_105 = arith.constant 0 : i32
      %dma_wait3A_106 = arith.constant 0 : i32
      %dma_wait3A_107 = tpu.memref_slice %arg7[%run_scoped3A_38, %dma_wait3A_105, %dma_wait3A_106] : memref<3x80x128xf32, #tpu.memory_space<vmem>> -> memref<1x80x128xf32, #tpu.memory_space<vmem>>
      %dma_wait3A_108 = tpu.memref_squeeze %dma_wait3A_107 : memref<1x80x128xf32, #tpu.memory_space<vmem>> -> memref<80x128xf32, #tpu.memory_space<vmem>>
      %dma_wait3A_109 = arith.constant 0 : i32
      %dma_wait3A_110 = tpu.memref_slice %arg10[%add3A_37, %dma_wait3A_109] : memref<10240x128xf32, #tpu.memory_space<vmem_shared>> -> memref<80x128xf32, #tpu.memory_space<vmem_shared>>
      %dma_wait3A_111 = arith.constant 0 : i32
      %dma_wait3A_112 = tpu.memref_slice %arg10[%add3A_37, %dma_wait3A_111] : memref<10240x128xf32, #tpu.memory_space<vmem_shared>> -> memref<80x128xf32, #tpu.memory_space<vmem_shared>>
      %dma_wait3A_113 = arith.constant 0 : i32
      %dma_wait3A_114 = arith.constant 0 : i32
      %dma_wait3A_115 = tpu.memref_slice %arg7[%run_scoped3A_38, %dma_wait3A_113, %dma_wait3A_114] : memref<3x80x128xf32, #tpu.memory_space<vmem>> -> memref<1x80x128xf32, #tpu.memory_space<vmem>>
      %dma_wait3A_116 = tpu.memref_squeeze %dma_wait3A_115 : memref<1x80x128xf32, #tpu.memory_space<vmem>> -> memref<80x128xf32, #tpu.memory_space<vmem>>
      tpu.wait_dma2 semaphore(%run_scoped3A_92 : memref<!tpu.dma_semaphore, #tpu.memory_space<semaphore_mem>>) src(%dma_wait3A_116 : memref<80x128xf32, #tpu.memory_space<vmem>>) dst(%dma_wait3A_112 : memref<80x128xf32, #tpu.memory_space<vmem_shared>>)
      tpu.yield
    }) : () -> ()
    %add3A_39 = arith.constant 240 : i32
    %add3A_40 = arith.addi %mul3A_31, %add3A_39 : i32
    %run_scoped3A_41 = arith.constant 0 : i32
    "tpu.region"() ({
      %run_scoped3A_92 = tpu.sem_alloc : memref<!tpu.dma_semaphore, #tpu.memory_space<semaphore_mem>>
      %dma_start3A_93 = arith.constant 0 : i32
      %dma_start3A_94 = arith.constant 0 : i32
      %dma_start3A_95 = tpu.memref_slice %arg7[%run_scoped3A_41, %dma_start3A_93, %dma_start3A_94] : memref<3x80x128xf32, #tpu.memory_space<vmem>> -> memref<1x80x128xf32, #tpu.memory_space<vmem>>
      %dma_start3A_96 = tpu.memref_squeeze %dma_start3A_95 : memref<1x80x128xf32, #tpu.memory_space<vmem>> -> memref<80x128xf32, #tpu.memory_space<vmem>>
      %dma_start3A_97 = arith.constant 0 : i32
      %dma_start3A_98 = tpu.memref_slice %arg10[%add3A_40, %dma_start3A_97] : memref<10240x128xf32, #tpu.memory_space<vmem_shared>> -> memref<80x128xf32, #tpu.memory_space<vmem_shared>>
      %dma_start3A_99 = arith.constant 0 : i32
      %dma_start3A_100 = tpu.memref_slice %arg10[%add3A_40, %dma_start3A_99] : memref<10240x128xf32, #tpu.memory_space<vmem_shared>> -> memref<80x128xf32, #tpu.memory_space<vmem_shared>>
      %dma_start3A_101 = arith.constant 0 : i32
      %dma_start3A_102 = arith.constant 0 : i32
      %dma_start3A_103 = tpu.memref_slice %arg7[%run_scoped3A_41, %dma_start3A_101, %dma_start3A_102] : memref<3x80x128xf32, #tpu.memory_space<vmem>> -> memref<1x80x128xf32, #tpu.memory_space<vmem>>
      %dma_start3A_104 = tpu.memref_squeeze %dma_start3A_103 : memref<1x80x128xf32, #tpu.memory_space<vmem>> -> memref<80x128xf32, #tpu.memory_space<vmem>>
      tpu.enqueue_dma source(%dma_start3A_104 : memref<80x128xf32, #tpu.memory_space<vmem>>) target(%dma_start3A_100 : memref<80x128xf32, #tpu.memory_space<vmem_shared>>) target_semaphore(%run_scoped3A_92 : memref<!tpu.dma_semaphore, #tpu.memory_space<semaphore_mem>>)
      %dma_wait3A_105 = arith.constant 0 : i32
      %dma_wait3A_106 = arith.constant 0 : i32
      %dma_wait3A_107 = tpu.memref_slice %arg7[%run_scoped3A_41, %dma_wait3A_105, %dma_wait3A_106] : memref<3x80x128xf32, #tpu.memory_space<vmem>> -> memref<1x80x128xf32, #tpu.memory_space<vmem>>
      %dma_wait3A_108 = tpu.memref_squeeze %dma_wait3A_107 : memref<1x80x128xf32, #tpu.memory_space<vmem>> -> memref<80x128xf32, #tpu.memory_space<vmem>>
      %dma_wait3A_109 = arith.constant 0 : i32
      %dma_wait3A_110 = tpu.memref_slice %arg10[%add3A_40, %dma_wait3A_109] : memref<10240x128xf32, #tpu.memory_space<vmem_shared>> -> memref<80x128xf32, #tpu.memory_space<vmem_shared>>
      %dma_wait3A_111 = arith.constant 0 : i32
      %dma_wait3A_112 = tpu.memref_slice %arg10[%add3A_40, %dma_wait3A_111] : memref<10240x128xf32, #tpu.memory_space<vmem_shared>> -> memref<80x128xf32, #tpu.memory_space<vmem_shared>>
      %dma_wait3A_113 = arith.constant 0 : i32
      %dma_wait3A_114 = arith.constant 0 : i32
      %dma_wait3A_115 = tpu.memref_slice %arg7[%run_scoped3A_41, %dma_wait3A_113, %dma_wait3A_114] : memref<3x80x128xf32, #tpu.memory_space<vmem>> -> memref<1x80x128xf32, #tpu.memory_space<vmem>>
      %dma_wait3A_116 = tpu.memref_squeeze %dma_wait3A_115 : memref<1x80x128xf32, #tpu.memory_space<vmem>> -> memref<80x128xf32, #tpu.memory_space<vmem>>
      tpu.wait_dma2 semaphore(%run_scoped3A_92 : memref<!tpu.dma_semaphore, #tpu.memory_space<semaphore_mem>>) src(%dma_wait3A_116 : memref<80x128xf32, #tpu.memory_space<vmem>>) dst(%dma_wait3A_112 : memref<80x128xf32, #tpu.memory_space<vmem_shared>>)
      tpu.yield
    }) : () -> ()
    %add3A_42 = arith.constant 320 : i32
    %add3A_43 = arith.addi %mul3A_31, %add3A_42 : i32
    %run_scoped3A_44 = arith.constant 0 : i32
    "tpu.region"() ({
      %run_scoped3A_92 = tpu.sem_alloc : memref<!tpu.dma_semaphore, #tpu.memory_space<semaphore_mem>>
      %dma_start3A_93 = arith.constant 0 : i32
      %dma_start3A_94 = arith.constant 0 : i32
      %dma_start3A_95 = tpu.memref_slice %arg7[%run_scoped3A_44, %dma_start3A_93, %dma_start3A_94] : memref<3x80x128xf32, #tpu.memory_space<vmem>> -> memref<1x80x128xf32, #tpu.memory_space<vmem>>
      %dma_start3A_96 = tpu.memref_squeeze %dma_start3A_95 : memref<1x80x128xf32, #tpu.memory_space<vmem>> -> memref<80x128xf32, #tpu.memory_space<vmem>>
      %dma_start3A_97 = arith.constant 0 : i32
      %dma_start3A_98 = tpu.memref_slice %arg10[%add3A_43, %dma_start3A_97] : memref<10240x128xf32, #tpu.memory_space<vmem_shared>> -> memref<80x128xf32, #tpu.memory_space<vmem_shared>>
      %dma_start3A_99 = arith.constant 0 : i32
      %dma_start3A_100 = tpu.memref_slice %arg10[%add3A_43, %dma_start3A_99] : memref<10240x128xf32, #tpu.memory_space<vmem_shared>> -> memref<80x128xf32, #tpu.memory_space<vmem_shared>>
      %dma_start3A_101 = arith.constant 0 : i32
      %dma_start3A_102 = arith.constant 0 : i32
      %dma_start3A_103 = tpu.memref_slice %arg7[%run_scoped3A_44, %dma_start3A_101, %dma_start3A_102] : memref<3x80x128xf32, #tpu.memory_space<vmem>> -> memref<1x80x128xf32, #tpu.memory_space<vmem>>
      %dma_start3A_104 = tpu.memref_squeeze %dma_start3A_103 : memref<1x80x128xf32, #tpu.memory_space<vmem>> -> memref<80x128xf32, #tpu.memory_space<vmem>>
      tpu.enqueue_dma source(%dma_start3A_104 : memref<80x128xf32, #tpu.memory_space<vmem>>) target(%dma_start3A_100 : memref<80x128xf32, #tpu.memory_space<vmem_shared>>) target_semaphore(%run_scoped3A_92 : memref<!tpu.dma_semaphore, #tpu.memory_space<semaphore_mem>>)
      %dma_wait3A_105 = arith.constant 0 : i32
      %dma_wait3A_106 = arith.constant 0 : i32
      %dma_wait3A_107 = tpu.memref_slice %arg7[%run_scoped3A_44, %dma_wait3A_105, %dma_wait3A_106] : memref<3x80x128xf32, #tpu.memory_space<vmem>> -> memref<1x80x128xf32, #tpu.memory_space<vmem>>
      %dma_wait3A_108 = tpu.memref_squeeze %dma_wait3A_107 : memref<1x80x128xf32, #tpu.memory_space<vmem>> -> memref<80x128xf32, #tpu.memory_space<vmem>>
      %dma_wait3A_109 = arith.constant 0 : i32
      %dma_wait3A_110 = tpu.memref_slice %arg10[%add3A_43, %dma_wait3A_109] : memref<10240x128xf32, #tpu.memory_space<vmem_shared>> -> memref<80x128xf32, #tpu.memory_space<vmem_shared>>
      %dma_wait3A_111 = arith.constant 0 : i32
      %dma_wait3A_112 = tpu.memref_slice %arg10[%add3A_43, %dma_wait3A_111] : memref<10240x128xf32, #tpu.memory_space<vmem_shared>> -> memref<80x128xf32, #tpu.memory_space<vmem_shared>>
      %dma_wait3A_113 = arith.constant 0 : i32
      %dma_wait3A_114 = arith.constant 0 : i32
      %dma_wait3A_115 = tpu.memref_slice %arg7[%run_scoped3A_44, %dma_wait3A_113, %dma_wait3A_114] : memref<3x80x128xf32, #tpu.memory_space<vmem>> -> memref<1x80x128xf32, #tpu.memory_space<vmem>>
      %dma_wait3A_116 = tpu.memref_squeeze %dma_wait3A_115 : memref<1x80x128xf32, #tpu.memory_space<vmem>> -> memref<80x128xf32, #tpu.memory_space<vmem>>
      tpu.wait_dma2 semaphore(%run_scoped3A_92 : memref<!tpu.dma_semaphore, #tpu.memory_space<semaphore_mem>>) src(%dma_wait3A_116 : memref<80x128xf32, #tpu.memory_space<vmem>>) dst(%dma_wait3A_112 : memref<80x128xf32, #tpu.memory_space<vmem_shared>>)
      tpu.yield
    }) : () -> ()
    %add3A_45 = arith.constant 400 : i32
    %add3A_46 = arith.addi %mul3A_31, %add3A_45 : i32
    %run_scoped3A_47 = arith.constant 0 : i32
    "tpu.region"() ({
      %run_scoped3A_92 = tpu.sem_alloc : memref<!tpu.dma_semaphore, #tpu.memory_space<semaphore_mem>>
      %dma_start3A_93 = arith.constant 0 : i32
      %dma_start3A_94 = arith.constant 0 : i32
      %dma_start3A_95 = tpu.memref_slice %arg7[%run_scoped3A_47, %dma_start3A_93, %dma_start3A_94] : memref<3x80x128xf32, #tpu.memory_space<vmem>> -> memref<1x80x128xf32, #tpu.memory_space<vmem>>
      %dma_start3A_96 = tpu.memref_squeeze %dma_start3A_95 : memref<1x80x128xf32, #tpu.memory_space<vmem>> -> memref<80x128xf32, #tpu.memory_space<vmem>>
      %dma_start3A_97 = arith.constant 0 : i32
      %dma_start3A_98 = tpu.memref_slice %arg10[%add3A_46, %dma_start3A_97] : memref<10240x128xf32, #tpu.memory_space<vmem_shared>> -> memref<80x128xf32, #tpu.memory_space<vmem_shared>>
      %dma_start3A_99 = arith.constant 0 : i32
      %dma_start3A_100 = tpu.memref_slice %arg10[%add3A_46, %dma_start3A_99] : memref<10240x128xf32, #tpu.memory_space<vmem_shared>> -> memref<80x128xf32, #tpu.memory_space<vmem_shared>>
      %dma_start3A_101 = arith.constant 0 : i32
      %dma_start3A_102 = arith.constant 0 : i32
      %dma_start3A_103 = tpu.memref_slice %arg7[%run_scoped3A_47, %dma_start3A_101, %dma_start3A_102] : memref<3x80x128xf32, #tpu.memory_space<vmem>> -> memref<1x80x128xf32, #tpu.memory_space<vmem>>
      %dma_start3A_104 = tpu.memref_squeeze %dma_start3A_103 : memref<1x80x128xf32, #tpu.memory_space<vmem>> -> memref<80x128xf32, #tpu.memory_space<vmem>>
      tpu.enqueue_dma source(%dma_start3A_104 : memref<80x128xf32, #tpu.memory_space<vmem>>) target(%dma_start3A_100 : memref<80x128xf32, #tpu.memory_space<vmem_shared>>) target_semaphore(%run_scoped3A_92 : memref<!tpu.dma_semaphore, #tpu.memory_space<semaphore_mem>>)
      %dma_wait3A_105 = arith.constant 0 : i32
      %dma_wait3A_106 = arith.constant 0 : i32
      %dma_wait3A_107 = tpu.memref_slice %arg7[%run_scoped3A_47, %dma_wait3A_105, %dma_wait3A_106] : memref<3x80x128xf32, #tpu.memory_space<vmem>> -> memref<1x80x128xf32, #tpu.memory_space<vmem>>
      %dma_wait3A_108 = tpu.memref_squeeze %dma_wait3A_107 : memref<1x80x128xf32, #tpu.memory_space<vmem>> -> memref<80x128xf32, #tpu.memory_space<vmem>>
      %dma_wait3A_109 = arith.constant 0 : i32
      %dma_wait3A_110 = tpu.memref_slice %arg10[%add3A_46, %dma_wait3A_109] : memref<10240x128xf32, #tpu.memory_space<vmem_shared>> -> memref<80x128xf32, #tpu.memory_space<vmem_shared>>
      %dma_wait3A_111 = arith.constant 0 : i32
      %dma_wait3A_112 = tpu.memref_slice %arg10[%add3A_46, %dma_wait3A_111] : memref<10240x128xf32, #tpu.memory_space<vmem_shared>> -> memref<80x128xf32, #tpu.memory_space<vmem_shared>>
      %dma_wait3A_113 = arith.constant 0 : i32
      %dma_wait3A_114 = arith.constant 0 : i32
      %dma_wait3A_115 = tpu.memref_slice %arg7[%run_scoped3A_47, %dma_wait3A_113, %dma_wait3A_114] : memref<3x80x128xf32, #tpu.memory_space<vmem>> -> memref<1x80x128xf32, #tpu.memory_space<vmem>>
      %dma_wait3A_116 = tpu.memref_squeeze %dma_wait3A_115 : memref<1x80x128xf32, #tpu.memory_space<vmem>> -> memref<80x128xf32, #tpu.memory_space<vmem>>
      tpu.wait_dma2 semaphore(%run_scoped3A_92 : memref<!tpu.dma_semaphore, #tpu.memory_space<semaphore_mem>>) src(%dma_wait3A_116 : memref<80x128xf32, #tpu.memory_space<vmem>>) dst(%dma_wait3A_112 : memref<80x128xf32, #tpu.memory_space<vmem_shared>>)
      tpu.yield
    }) : () -> ()
    %add3A_48 = arith.constant 480 : i32
    %add3A_49 = arith.addi %mul3A_31, %add3A_48 : i32
    %run_scoped3A_50 = arith.constant 0 : i32
    "tpu.region"() ({
      %run_scoped3A_92 = tpu.sem_alloc : memref<!tpu.dma_semaphore, #tpu.memory_space<semaphore_mem>>
      %dma_start3A_93 = arith.constant 0 : i32
      %dma_start3A_94 = arith.constant 0 : i32
      %dma_start3A_95 = tpu.memref_slice %arg7[%run_scoped3A_50, %dma_start3A_93, %dma_start3A_94] : memref<3x80x128xf32, #tpu.memory_space<vmem>> -> memref<1x80x128xf32, #tpu.memory_space<vmem>>
      %dma_start3A_96 = tpu.memref_squeeze %dma_start3A_95 : memref<1x80x128xf32, #tpu.memory_space<vmem>> -> memref<80x128xf32, #tpu.memory_space<vmem>>
      %dma_start3A_97 = arith.constant 0 : i32
      %dma_start3A_98 = tpu.memref_slice %arg10[%add3A_49, %dma_start3A_97] : memref<10240x128xf32, #tpu.memory_space<vmem_shared>> -> memref<80x128xf32, #tpu.memory_space<vmem_shared>>
      %dma_start3A_99 = arith.constant 0 : i32
      %dma_start3A_100 = tpu.memref_slice %arg10[%add3A_49, %dma_start3A_99] : memref<10240x128xf32, #tpu.memory_space<vmem_shared>> -> memref<80x128xf32, #tpu.memory_space<vmem_shared>>
      %dma_start3A_101 = arith.constant 0 : i32
      %dma_start3A_102 = arith.constant 0 : i32
      %dma_start3A_103 = tpu.memref_slice %arg7[%run_scoped3A_50, %dma_start3A_101, %dma_start3A_102] : memref<3x80x128xf32, #tpu.memory_space<vmem>> -> memref<1x80x128xf32, #tpu.memory_space<vmem>>
      %dma_start3A_104 = tpu.memref_squeeze %dma_start3A_103 : memref<1x80x128xf32, #tpu.memory_space<vmem>> -> memref<80x128xf32, #tpu.memory_space<vmem>>
      tpu.enqueue_dma source(%dma_start3A_104 : memref<80x128xf32, #tpu.memory_space<vmem>>) target(%dma_start3A_100 : memref<80x128xf32, #tpu.memory_space<vmem_shared>>) target_semaphore(%run_scoped3A_92 : memref<!tpu.dma_semaphore, #tpu.memory_space<semaphore_mem>>)
      %dma_wait3A_105 = arith.constant 0 : i32
      %dma_wait3A_106 = arith.constant 0 : i32
      %dma_wait3A_107 = tpu.memref_slice %arg7[%run_scoped3A_50, %dma_wait3A_105, %dma_wait3A_106] : memref<3x80x128xf32, #tpu.memory_space<vmem>> -> memref<1x80x128xf32, #tpu.memory_space<vmem>>
      %dma_wait3A_108 = tpu.memref_squeeze %dma_wait3A_107 : memref<1x80x128xf32, #tpu.memory_space<vmem>> -> memref<80x128xf32, #tpu.memory_space<vmem>>
      %dma_wait3A_109 = arith.constant 0 : i32
      %dma_wait3A_110 = tpu.memref_slice %arg10[%add3A_49, %dma_wait3A_109] : memref<10240x128xf32, #tpu.memory_space<vmem_shared>> -> memref<80x128xf32, #tpu.memory_space<vmem_shared>>
      %dma_wait3A_111 = arith.constant 0 : i32
      %dma_wait3A_112 = tpu.memref_slice %arg10[%add3A_49, %dma_wait3A_111] : memref<10240x128xf32, #tpu.memory_space<vmem_shared>> -> memref<80x128xf32, #tpu.memory_space<vmem_shared>>
      %dma_wait3A_113 = arith.constant 0 : i32
      %dma_wait3A_114 = arith.constant 0 : i32
      %dma_wait3A_115 = tpu.memref_slice %arg7[%run_scoped3A_50, %dma_wait3A_113, %dma_wait3A_114] : memref<3x80x128xf32, #tpu.memory_space<vmem>> -> memref<1x80x128xf32, #tpu.memory_space<vmem>>
      %dma_wait3A_116 = tpu.memref_squeeze %dma_wait3A_115 : memref<1x80x128xf32, #tpu.memory_space<vmem>> -> memref<80x128xf32, #tpu.memory_space<vmem>>
      tpu.wait_dma2 semaphore(%run_scoped3A_92 : memref<!tpu.dma_semaphore, #tpu.memory_space<semaphore_mem>>) src(%dma_wait3A_116 : memref<80x128xf32, #tpu.memory_space<vmem>>) dst(%dma_wait3A_112 : memref<80x128xf32, #tpu.memory_space<vmem_shared>>)
      tpu.yield
    }) : () -> ()
    %add3A_51 = arith.constant 560 : i32
    %add3A_52 = arith.addi %mul3A_31, %add3A_51 : i32
    %run_scoped3A_53 = arith.constant 0 : i32
    "tpu.region"() ({
      %run_scoped3A_92 = tpu.sem_alloc : memref<!tpu.dma_semaphore, #tpu.memory_space<semaphore_mem>>
      %dma_start3A_93 = arith.constant 0 : i32
      %dma_start3A_94 = arith.constant 0 : i32
      %dma_start3A_95 = tpu.memref_slice %arg7[%run_scoped3A_53, %dma_start3A_93, %dma_start3A_94] : memref<3x80x128xf32, #tpu.memory_space<vmem>> -> memref<1x80x128xf32, #tpu.memory_space<vmem>>
      %dma_start3A_96 = tpu.memref_squeeze %dma_start3A_95 : memref<1x80x128xf32, #tpu.memory_space<vmem>> -> memref<80x128xf32, #tpu.memory_space<vmem>>
      %dma_start3A_97 = arith.constant 0 : i32
      %dma_start3A_98 = tpu.memref_slice %arg10[%add3A_52, %dma_start3A_97] : memref<10240x128xf32, #tpu.memory_space<vmem_shared>> -> memref<80x128xf32, #tpu.memory_space<vmem_shared>>
      %dma_start3A_99 = arith.constant 0 : i32
      %dma_start3A_100 = tpu.memref_slice %arg10[%add3A_52, %dma_start3A_99] : memref<10240x128xf32, #tpu.memory_space<vmem_shared>> -> memref<80x128xf32, #tpu.memory_space<vmem_shared>>
      %dma_start3A_101 = arith.constant 0 : i32
      %dma_start3A_102 = arith.constant 0 : i32
      %dma_start3A_103 = tpu.memref_slice %arg7[%run_scoped3A_53, %dma_start3A_101, %dma_start3A_102] : memref<3x80x128xf32, #tpu.memory_space<vmem>> -> memref<1x80x128xf32, #tpu.memory_space<vmem>>
      %dma_start3A_104 = tpu.memref_squeeze %dma_start3A_103 : memref<1x80x128xf32, #tpu.memory_space<vmem>> -> memref<80x128xf32, #tpu.memory_space<vmem>>
      tpu.enqueue_dma source(%dma_start3A_104 : memref<80x128xf32, #tpu.memory_space<vmem>>) target(%dma_start3A_100 : memref<80x128xf32, #tpu.memory_space<vmem_shared>>) target_semaphore(%run_scoped3A_92 : memref<!tpu.dma_semaphore, #tpu.memory_space<semaphore_mem>>)
      %dma_wait3A_105 = arith.constant 0 : i32
      %dma_wait3A_106 = arith.constant 0 : i32
      %dma_wait3A_107 = tpu.memref_slice %arg7[%run_scoped3A_53, %dma_wait3A_105, %dma_wait3A_106] : memref<3x80x128xf32, #tpu.memory_space<vmem>> -> memref<1x80x128xf32, #tpu.memory_space<vmem>>
      %dma_wait3A_108 = tpu.memref_squeeze %dma_wait3A_107 : memref<1x80x128xf32, #tpu.memory_space<vmem>> -> memref<80x128xf32, #tpu.memory_space<vmem>>
      %dma_wait3A_109 = arith.constant 0 : i32
      %dma_wait3A_110 = tpu.memref_slice %arg10[%add3A_52, %dma_wait3A_109] : memref<10240x128xf32, #tpu.memory_space<vmem_shared>> -> memref<80x128xf32, #tpu.memory_space<vmem_shared>>
      %dma_wait3A_111 = arith.constant 0 : i32
      %dma_wait3A_112 = tpu.memref_slice %arg10[%add3A_52, %dma_wait3A_111] : memref<10240x128xf32, #tpu.memory_space<vmem_shared>> -> memref<80x128xf32, #tpu.memory_space<vmem_shared>>
      %dma_wait3A_113 = arith.constant 0 : i32
      %dma_wait3A_114 = arith.constant 0 : i32
      %dma_wait3A_115 = tpu.memref_slice %arg7[%run_scoped3A_53, %dma_wait3A_113, %dma_wait3A_114] : memref<3x80x128xf32, #tpu.memory_space<vmem>> -> memref<1x80x128xf32, #tpu.memory_space<vmem>>
      %dma_wait3A_116 = tpu.memref_squeeze %dma_wait3A_115 : memref<1x80x128xf32, #tpu.memory_space<vmem>> -> memref<80x128xf32, #tpu.memory_space<vmem>>
      tpu.wait_dma2 semaphore(%run_scoped3A_92 : memref<!tpu.dma_semaphore, #tpu.memory_space<semaphore_mem>>) src(%dma_wait3A_116 : memref<80x128xf32, #tpu.memory_space<vmem>>) dst(%dma_wait3A_112 : memref<80x128xf32, #tpu.memory_space<vmem_shared>>)
      tpu.yield
    }) : () -> ()
    "tpu.region"() ({
      %run_scoped3A_92 = tpu.sem_alloc : memref<!tpu.dma_semaphore, #tpu.memory_space<semaphore_mem>>
      %dma_start3A_93 = tpu.memref_slice %arg11[%mul3A_31] : memref<10240xf32, #tpu.memory_space<vmem_shared>> -> memref<640xf32, #tpu.memory_space<vmem_shared>>
      %dma_start3A_94 = tpu.memref_slice %arg11[%mul3A_31] : memref<10240xf32, #tpu.memory_space<vmem_shared>> -> memref<640xf32, #tpu.memory_space<vmem_shared>>
      tpu.enqueue_dma source(%arg8 : memref<640xf32, #tpu.memory_space<vmem>>) target(%dma_start3A_94 : memref<640xf32, #tpu.memory_space<vmem_shared>>) target_semaphore(%run_scoped3A_92 : memref<!tpu.dma_semaphore, #tpu.memory_space<semaphore_mem>>)
      %dma_wait3A_95 = tpu.memref_slice %arg11[%mul3A_31] : memref<10240xf32, #tpu.memory_space<vmem_shared>> -> memref<640xf32, #tpu.memory_space<vmem_shared>>
      %dma_wait3A_96 = tpu.memref_slice %arg11[%mul3A_31] : memref<10240xf32, #tpu.memory_space<vmem_shared>> -> memref<640xf32, #tpu.memory_space<vmem_shared>>
      tpu.wait_dma2 semaphore(%run_scoped3A_92 : memref<!tpu.dma_semaphore, #tpu.memory_space<semaphore_mem>>) src(%arg8 : memref<640xf32, #tpu.memory_space<vmem>>) dst(%dma_wait3A_96 : memref<640xf32, #tpu.memory_space<vmem_shared>>)
      tpu.yield
    }) : () -> ()
    %barrier3A = arith.constant 0 : index
    tpu.barrier barrier_id(%barrier3A)
    %mul3A_54 = arith.constant 125 : i32
    %mul3A_55 = arith.muli %arg1, %mul3A_54 : i32
    %add3A_56 = arith.constant 0 : i32
    %add3A_57 = arith.addi %mul3A_55, %add3A_56 : i32
    %lt3A = arith.constant 2000 : i32
    %lt3A_58 = arith.cmpi slt, %add3A_57, %lt3A : i32
    %and3A = arith.constant true
    %and3A_59 = arith.andi %and3A, %lt3A_58 : i1
    %convert_element_type3A = arith.extui %and3A_59 : i1 to i32
    %cond3A = arith.constant 0 : i32
    %cond3A_60 = arith.cmpi ne, %convert_element_type3A, %cond3A : i32
    scf.if %cond3A_60 {
      %mul3A_92 = arith.constant 2000 : i32
      %mul3A_93 = arith.muli %arg0, %mul3A_92 : i32
      %mul3A_94 = arith.constant 125 : i32
      %mul3A_95 = arith.muli %arg1, %mul3A_94 : i32
      %add3A_96 = arith.addi %mul3A_93, %mul3A_95 : i32
      %add3A_97 = arith.constant 0 : i32
      %add3A_98 = arith.addi %add3A_96, %add3A_97 : i32
      %mul3A_99 = arith.constant 80 : i32
      %mul3A_100 = arith.muli %add3A_98, %mul3A_99 : i32
      %dma_start3A_101 = arith.constant 0 : i32
      %dma_start3A_102 = arith.constant 0 : i32
      %dma_start3A_103 = tpu.memref_slice %arg6[%dma_start3A_101, %dma_start3A_102] : memref<3x80xi32, #tpu.memory_space<vmem>> -> memref<1x80xi32, #tpu.memory_space<vmem>>
      %dma_start3A_104 = tpu.memref_squeeze %dma_start3A_103 : memref<1x80xi32, #tpu.memory_space<vmem>> -> memref<80xi32, #tpu.memory_space<vmem>>
      %dma_start3A_105 = tpu.memref_slice %arg3[%mul3A_100] : memref<320000xi32, #tpu.memory_space<hbm>> -> memref<80xi32, #tpu.memory_space<hbm>>
      %dma_start3A_106 = arith.constant 0 : i32
      %dma_start3A_107 = tpu.memref_slice %arg6[%dma_start3A_101, %dma_start3A_106] : memref<3x80xi32, #tpu.memory_space<vmem>> -> memref<1x80xi32, #tpu.memory_space<vmem>>
      %dma_start3A_108 = tpu.memref_squeeze %dma_start3A_107 : memref<1x80xi32, #tpu.memory_space<vmem>> -> memref<80xi32, #tpu.memory_space<vmem>>
      %dma_start3A_109 = tpu.memref_slice %arg3[%mul3A_100] : memref<320000xi32, #tpu.memory_space<hbm>> -> memref<80xi32, #tpu.memory_space<hbm>>
      tpu.enqueue_dma source(%dma_start3A_109 : memref<80xi32, #tpu.memory_space<hbm>>) target(%dma_start3A_108 : memref<80xi32, #tpu.memory_space<vmem>>) target_semaphore(%arg12 : memref<!tpu.dma_semaphore, #tpu.memory_space<semaphore_mem>>)
      %mul3A_110 = arith.constant 80 : i32
      %mul3A_111 = arith.muli %add3A_98, %mul3A_110 : i32
      %dma_start3A_112 = arith.constant 0 : i32
      %dma_start3A_113 = arith.constant 0 : i32
      %dma_start3A_114 = arith.constant 0 : i32
      %dma_start3A_115 = tpu.memref_slice %arg7[%dma_start3A_112, %dma_start3A_113, %dma_start3A_114] : memref<3x80x128xf32, #tpu.memory_space<vmem>> -> memref<1x80x128xf32, #tpu.memory_space<vmem>>
      %dma_start3A_116 = tpu.memref_squeeze %dma_start3A_115 : memref<1x80x128xf32, #tpu.memory_space<vmem>> -> memref<80x128xf32, #tpu.memory_space<vmem>>
      %dma_start3A_117 = arith.constant 0 : i32
      %dma_start3A_118 = tpu.memref_slice %arg2[%mul3A_111, %dma_start3A_117] : memref<320000x128xf32, #tpu.memory_space<hbm>> -> memref<80x128xf32, #tpu.memory_space<hbm>>
      %dma_start3A_119 = arith.constant 0 : i32
      %dma_start3A_120 = arith.constant 0 : i32
      %dma_start3A_121 = tpu.memref_slice %arg7[%dma_start3A_112, %dma_start3A_119, %dma_start3A_120] : memref<3x80x128xf32, #tpu.memory_space<vmem>> -> memref<1x80x128xf32, #tpu.memory_space<vmem>>
      %dma_start3A_122 = tpu.memref_squeeze %dma_start3A_121 : memref<1x80x128xf32, #tpu.memory_space<vmem>> -> memref<80x128xf32, #tpu.memory_space<vmem>>
      %dma_start3A_123 = arith.constant 0 : i32
      %dma_start3A_124 = tpu.memref_slice %arg2[%mul3A_111, %dma_start3A_123] : memref<320000x128xf32, #tpu.memory_space<hbm>> -> memref<80x128xf32, #tpu.memory_space<hbm>>
      tpu.enqueue_dma source(%dma_start3A_124 : memref<80x128xf32, #tpu.memory_space<hbm>>) target(%dma_start3A_122 : memref<80x128xf32, #tpu.memory_space<vmem>>) target_semaphore(%arg12 : memref<!tpu.dma_semaphore, #tpu.memory_space<semaphore_mem>>)
    } else {
    }
    %mul3A_61 = arith.constant 125 : i32
    %mul3A_62 = arith.muli %arg1, %mul3A_61 : i32
    %add3A_63 = arith.constant 1 : i32
    %add3A_64 = arith.addi %mul3A_62, %add3A_63 : i32
    %lt3A_65 = arith.constant 2000 : i32
    %lt3A_66 = arith.cmpi slt, %add3A_64, %lt3A_65 : i32
    %and3A_67 = arith.constant true
    %and3A_68 = arith.andi %and3A_67, %lt3A_66 : i1
    %convert_element_type3A_69 = arith.extui %and3A_68 : i1 to i32
    %cond3A_70 = arith.constant 0 : i32
    %cond3A_71 = arith.cmpi ne, %convert_element_type3A_69, %cond3A_70 : i32
    scf.if %cond3A_71 {
      %mul3A_92 = arith.constant 2000 : i32
      %mul3A_93 = arith.muli %arg0, %mul3A_92 : i32
      %mul3A_94 = arith.constant 125 : i32
      %mul3A_95 = arith.muli %arg1, %mul3A_94 : i32
      %add3A_96 = arith.addi %mul3A_93, %mul3A_95 : i32
      %add3A_97 = arith.constant 1 : i32
      %add3A_98 = arith.addi %add3A_96, %add3A_97 : i32
      %mul3A_99 = arith.constant 80 : i32
      %mul3A_100 = arith.muli %add3A_98, %mul3A_99 : i32
      %dma_start3A_101 = arith.constant 1 : i32
      %dma_start3A_102 = arith.constant 0 : i32
      %dma_start3A_103 = tpu.memref_slice %arg6[%dma_start3A_101, %dma_start3A_102] : memref<3x80xi32, #tpu.memory_space<vmem>> -> memref<1x80xi32, #tpu.memory_space<vmem>>
      %dma_start3A_104 = tpu.memref_squeeze %dma_start3A_103 : memref<1x80xi32, #tpu.memory_space<vmem>> -> memref<80xi32, #tpu.memory_space<vmem>>
      %dma_start3A_105 = tpu.memref_slice %arg3[%mul3A_100] : memref<320000xi32, #tpu.memory_space<hbm>> -> memref<80xi32, #tpu.memory_space<hbm>>
      %dma_start3A_106 = arith.constant 0 : i32
      %dma_start3A_107 = tpu.memref_slice %arg6[%dma_start3A_101, %dma_start3A_106] : memref<3x80xi32, #tpu.memory_space<vmem>> -> memref<1x80xi32, #tpu.memory_space<vmem>>
      %dma_start3A_108 = tpu.memref_squeeze %dma_start3A_107 : memref<1x80xi32, #tpu.memory_space<vmem>> -> memref<80xi32, #tpu.memory_space<vmem>>
      %dma_start3A_109 = tpu.memref_slice %arg3[%mul3A_100] : memref<320000xi32, #tpu.memory_space<hbm>> -> memref<80xi32, #tpu.memory_space<hbm>>
      tpu.enqueue_dma source(%dma_start3A_109 : memref<80xi32, #tpu.memory_space<hbm>>) target(%dma_start3A_108 : memref<80xi32, #tpu.memory_space<vmem>>) target_semaphore(%arg13 : memref<!tpu.dma_semaphore, #tpu.memory_space<semaphore_mem>>)
      %mul3A_110 = arith.constant 80 : i32
      %mul3A_111 = arith.muli %add3A_98, %mul3A_110 : i32
      %dma_start3A_112 = arith.constant 1 : i32
      %dma_start3A_113 = arith.constant 0 : i32
      %dma_start3A_114 = arith.constant 0 : i32
      %dma_start3A_115 = tpu.memref_slice %arg7[%dma_start3A_112, %dma_start3A_113, %dma_start3A_114] : memref<3x80x128xf32, #tpu.memory_space<vmem>> -> memref<1x80x128xf32, #tpu.memory_space<vmem>>
      %dma_start3A_116 = tpu.memref_squeeze %dma_start3A_115 : memref<1x80x128xf32, #tpu.memory_space<vmem>> -> memref<80x128xf32, #tpu.memory_space<vmem>>
      %dma_start3A_117 = arith.constant 0 : i32
      %dma_start3A_118 = tpu.memref_slice %arg2[%mul3A_111, %dma_start3A_117] : memref<320000x128xf32, #tpu.memory_space<hbm>> -> memref<80x128xf32, #tpu.memory_space<hbm>>
      %dma_start3A_119 = arith.constant 0 : i32
      %dma_start3A_120 = arith.constant 0 : i32
      %dma_start3A_121 = tpu.memref_slice %arg7[%dma_start3A_112, %dma_start3A_119, %dma_start3A_120] : memref<3x80x128xf32, #tpu.memory_space<vmem>> -> memref<1x80x128xf32, #tpu.memory_space<vmem>>
      %dma_start3A_122 = tpu.memref_squeeze %dma_start3A_121 : memref<1x80x128xf32, #tpu.memory_space<vmem>> -> memref<80x128xf32, #tpu.memory_space<vmem>>
      %dma_start3A_123 = arith.constant 0 : i32
      %dma_start3A_124 = tpu.memref_slice %arg2[%mul3A_111, %dma_start3A_123] : memref<320000x128xf32, #tpu.memory_space<hbm>> -> memref<80x128xf32, #tpu.memory_space<hbm>>
      tpu.enqueue_dma source(%dma_start3A_124 : memref<80x128xf32, #tpu.memory_space<hbm>>) target(%dma_start3A_122 : memref<80x128xf32, #tpu.memory_space<vmem>>) target_semaphore(%arg13 : memref<!tpu.dma_semaphore, #tpu.memory_space<semaphore_mem>>)
    } else {
    }
    %scan3A_72 = arith.constant 0 : i32
    %scan3A_73 = arith.constant 43 : i32
    %scan3A_74 = arith.addi %scan3A_72, %scan3A_73 : i32
    %scan3A_75 = arith.constant 1 : i32
    scf.for %scan3A_92 = %scan3A_72 to %scan3A_74 step %scan3A_75  : i32 {
      %mul3A_93 = arith.constant 3 : i32
      %mul3A_94 = arith.muli %mul3A_93, %scan3A_92 : i32
      %add3A_95 = arith.constant 0 : i32
      %add3A_96 = arith.addi %mul3A_94, %add3A_95 : i32
      %lt3A_97 = arith.constant 125 : i32
      %lt3A_98 = arith.cmpi slt, %add3A_96, %lt3A_97 : i32
      %mul3A_99 = arith.constant 125 : i32
      %mul3A_100 = arith.muli %arg1, %mul3A_99 : i32
      %add3A_101 = arith.addi %mul3A_100, %add3A_96 : i32
      %lt3A_102 = arith.constant 2000 : i32
      %lt3A_103 = arith.cmpi slt, %add3A_101, %lt3A_102 : i32
      %and3A_104 = arith.andi %lt3A_98, %lt3A_103 : i1
      %convert_element_type3A_105 = arith.extui %and3A_104 : i1 to i32
      %cond3A_106 = arith.constant 0 : i32
      %cond3A_107 = arith.cmpi ne, %convert_element_type3A_105, %cond3A_106 : i32
      scf.if %cond3A_107 {
        %dma_wait3A_219 = arith.constant 0 : i32
        %dma_wait3A_220 = arith.constant 0 : i32
        %dma_wait3A_221 = tpu.memref_slice %arg6[%dma_wait3A_219, %dma_wait3A_220] : memref<3x80xi32, #tpu.memory_space<vmem>> -> memref<1x80xi32, #tpu.memory_space<vmem>>
        %dma_wait3A_222 = tpu.memref_squeeze %dma_wait3A_221 : memref<1x80xi32, #tpu.memory_space<vmem>> -> memref<80xi32, #tpu.memory_space<vmem>>
        %dma_wait3A_223 = arith.constant 0 : i32
        %dma_wait3A_224 = tpu.memref_slice %arg3[%dma_wait3A_223] : memref<320000xi32, #tpu.memory_space<hbm>> -> memref<80xi32, #tpu.memory_space<hbm>>
        %dma_wait3A_225 = arith.constant 0 : i32
        %dma_wait3A_226 = tpu.memref_slice %arg6[%dma_wait3A_219, %dma_wait3A_225] : memref<3x80xi32, #tpu.memory_space<vmem>> -> memref<1x80xi32, #tpu.memory_space<vmem>>
        %dma_wait3A_227 = tpu.memref_squeeze %dma_wait3A_226 : memref<1x80xi32, #tpu.memory_space<vmem>> -> memref<80xi32, #tpu.memory_space<vmem>>
        %dma_wait3A_228 = arith.constant 0 : i32
        %dma_wait3A_229 = tpu.memref_slice %arg3[%dma_wait3A_228] : memref<320000xi32, #tpu.memory_space<hbm>> -> memref<80xi32, #tpu.memory_space<hbm>>
        tpu.wait_dma2 semaphore(%arg12 : memref<!tpu.dma_semaphore, #tpu.memory_space<semaphore_mem>>) src(%dma_wait3A_229 : memref<80xi32, #tpu.memory_space<hbm>>) dst(%dma_wait3A_227 : memref<80xi32, #tpu.memory_space<vmem>>)
        %dma_wait3A_230 = arith.constant 0 : i32
        %dma_wait3A_231 = arith.constant 0 : i32
        %dma_wait3A_232 = arith.constant 0 : i32
        %dma_wait3A_233 = tpu.memref_slice %arg7[%dma_wait3A_230, %dma_wait3A_231, %dma_wait3A_232] : memref<3x80x128xf32, #tpu.memory_space<vmem>> -> memref<1x80x128xf32, #tpu.memory_space<vmem>>
        %dma_wait3A_234 = tpu.memref_squeeze %dma_wait3A_233 : memref<1x80x128xf32, #tpu.memory_space<vmem>> -> memref<80x128xf32, #tpu.memory_space<vmem>>
        %dma_wait3A_235 = arith.constant 0 : i32
        %dma_wait3A_236 = arith.constant 0 : i32
        %dma_wait3A_237 = tpu.memref_slice %arg2[%dma_wait3A_235, %dma_wait3A_236] : memref<320000x128xf32, #tpu.memory_space<hbm>> -> memref<80x128xf32, #tpu.memory_space<hbm>>
        %dma_wait3A_238 = arith.constant 0 : i32
        %dma_wait3A_239 = arith.constant 0 : i32
        %dma_wait3A_240 = tpu.memref_slice %arg7[%dma_wait3A_230, %dma_wait3A_238, %dma_wait3A_239] : memref<3x80x128xf32, #tpu.memory_space<vmem>> -> memref<1x80x128xf32, #tpu.memory_space<vmem>>
        %dma_wait3A_241 = tpu.memref_squeeze %dma_wait3A_240 : memref<1x80x128xf32, #tpu.memory_space<vmem>> -> memref<80x128xf32, #tpu.memory_space<vmem>>
        %dma_wait3A_242 = arith.constant 0 : i32
        %dma_wait3A_243 = arith.constant 0 : i32
        %dma_wait3A_244 = tpu.memref_slice %arg2[%dma_wait3A_242, %dma_wait3A_243] : memref<320000x128xf32, #tpu.memory_space<hbm>> -> memref<80x128xf32, #tpu.memory_space<hbm>>
        tpu.wait_dma2 semaphore(%arg12 : memref<!tpu.dma_semaphore, #tpu.memory_space<semaphore_mem>>) src(%dma_wait3A_244 : memref<80x128xf32, #tpu.memory_space<hbm>>) dst(%dma_wait3A_241 : memref<80x128xf32, #tpu.memory_space<vmem>>)
        %dma_start3A_245 = arith.constant 0 : i32
        %dma_start3A_246 = arith.constant 0 : i32
        %dma_start3A_247 = arith.constant 0 : i32
        %dma_start3A_248 = arith.constant 0 : i32
        %dma_start3A_249 = tpu.memref_slice %arg7[%dma_start3A_245, %dma_start3A_247, %dma_start3A_248] : memref<3x80x128xf32, #tpu.memory_space<vmem>> -> memref<1x80x128xf32, #tpu.memory_space<vmem>>
        %dma_start3A_250 = tpu.memref_squeeze %dma_start3A_249 : memref<1x80x128xf32, #tpu.memory_space<vmem>> -> memref<80x128xf32, #tpu.memory_space<vmem>>
        %dma_start3A_251 = arith.constant 0 : i32
        %dma_start3A_252 = tpu.memref_slice %arg6[%dma_start3A_246, %dma_start3A_251] : memref<3x80xi32, #tpu.memory_space<vmem>> -> memref<1x80xi32, #tpu.memory_space<vmem>>
        %dma_start3A_253 = tpu.memref_squeeze %dma_start3A_252 : memref<1x80xi32, #tpu.memory_space<vmem>> -> memref<80xi32, #tpu.memory_space<vmem>>
        %dma_start3A_254 = arith.constant 0 : i32
        %dma_start3A_255 = arith.constant 0 : i32
        %dma_start3A_256 = tpu.memref_slice %arg10[%dma_start3A_254, %dma_start3A_255] : memref<10240x128xf32, #tpu.memory_space<vmem_shared>> -> memref<10240x128xf32, #tpu.memory_space<vmem_shared>>
        tpu.enqueue_indirect_dma source(%dma_start3A_250 : memref<80x128xf32, #tpu.memory_space<vmem>>) target(%dma_start3A_256 : memref<10240x128xf32, #tpu.memory_space<vmem_shared>>) offsets(%dma_start3A_253 : memref<80xi32, #tpu.memory_space<vmem>>) semaphore(%arg15 : memref<!tpu.dma_semaphore, #tpu.memory_space<semaphore_mem>>) {add = true}
        %dma_start3A_257 = arith.constant 0 : i32
        %dma_start3A_258 = arith.constant 0 : i32
        %dma_start3A_259 = tpu.memref_slice %arg6[%dma_start3A_257, %dma_start3A_258] : memref<3x80xi32, #tpu.memory_space<vmem>> -> memref<1x80xi32, #tpu.memory_space<vmem>>
        %dma_start3A_260 = tpu.memref_squeeze %dma_start3A_259 : memref<1x80xi32, #tpu.memory_space<vmem>> -> memref<80xi32, #tpu.memory_space<vmem>>
        %dma_start3A_261 = arith.constant 0 : i32
        %dma_start3A_262 = tpu.memref_slice %arg11[%dma_start3A_261] : memref<10240xf32, #tpu.memory_space<vmem_shared>> -> memref<10240xf32, #tpu.memory_space<vmem_shared>>
        tpu.enqueue_indirect_dma source(%arg9 : memref<80xf32, #tpu.memory_space<vmem>>) target(%dma_start3A_262 : memref<10240xf32, #tpu.memory_space<vmem_shared>>) offsets(%dma_start3A_260 : memref<80xi32, #tpu.memory_space<vmem>>) semaphore(%arg15 : memref<!tpu.dma_semaphore, #tpu.memory_space<semaphore_mem>>) {add = true}
      } else {
      }
      %sub3A = arith.constant 1 : i32
      %sub3A_108 = arith.subi %add3A_96, %sub3A : i32
      %ge3A = arith.constant 0 : i32
      %ge3A_109 = arith.cmpi sge, %sub3A_108, %ge3A : i32
      %lt3A_110 = arith.constant 125 : i32
      %lt3A_111 = arith.cmpi slt, %sub3A_108, %lt3A_110 : i32
      %mul3A_112 = arith.constant 125 : i32
      %mul3A_113 = arith.muli %arg1, %mul3A_112 : i32
      %add3A_114 = arith.addi %mul3A_113, %sub3A_108 : i32
      %lt3A_115 = arith.constant 2000 : i32
      %lt3A_116 = arith.cmpi slt, %add3A_114, %lt3A_115 : i32
      %and3A_117 = arith.andi %lt3A_111, %lt3A_116 : i1
      %and3A_118 = arith.andi %ge3A_109, %and3A_117 : i1
      %convert_element_type3A_119 = arith.extui %and3A_118 : i1 to i32
      %cond3A_120 = arith.constant 0 : i32
      %cond3A_121 = arith.cmpi ne, %convert_element_type3A_119, %cond3A_120 : i32
      scf.if %cond3A_121 {
        %dma_wait3A_219 = arith.constant 2 : i32
        %dma_wait3A_220 = arith.constant 2 : i32
        %dma_wait3A_221 = arith.constant 0 : i32
        %dma_wait3A_222 = arith.constant 0 : i32
        %dma_wait3A_223 = tpu.memref_slice %arg7[%dma_wait3A_219, %dma_wait3A_221, %dma_wait3A_222] : memref<3x80x128xf32, #tpu.memory_space<vmem>> -> memref<1x80x128xf32, #tpu.memory_space<vmem>>
        %dma_wait3A_224 = tpu.memref_squeeze %dma_wait3A_223 : memref<1x80x128xf32, #tpu.memory_space<vmem>> -> memref<80x128xf32, #tpu.memory_space<vmem>>
        %dma_wait3A_225 = arith.constant 0 : i32
        %dma_wait3A_226 = tpu.memref_slice %arg6[%dma_wait3A_220, %dma_wait3A_225] : memref<3x80xi32, #tpu.memory_space<vmem>> -> memref<1x80xi32, #tpu.memory_space<vmem>>
        %dma_wait3A_227 = tpu.memref_squeeze %dma_wait3A_226 : memref<1x80xi32, #tpu.memory_space<vmem>> -> memref<80xi32, #tpu.memory_space<vmem>>
        %dma_wait3A_228 = arith.constant 0 : i32
        %dma_wait3A_229 = arith.constant 0 : i32
        %dma_wait3A_230 = tpu.memref_slice %arg10[%dma_wait3A_228, %dma_wait3A_229] : memref<10240x128xf32, #tpu.memory_space<vmem_shared>> -> memref<10240x128xf32, #tpu.memory_space<vmem_shared>>
        tpu.wait_indirect_dma semaphore(%arg17 : memref<!tpu.dma_semaphore, #tpu.memory_space<semaphore_mem>>) src(%dma_wait3A_224 : memref<80x128xf32, #tpu.memory_space<vmem>>) dst(%dma_wait3A_230 : memref<10240x128xf32, #tpu.memory_space<vmem_shared>>)
        %dma_wait3A_231 = arith.constant 2 : i32
        %dma_wait3A_232 = arith.constant 0 : i32
        %dma_wait3A_233 = tpu.memref_slice %arg6[%dma_wait3A_231, %dma_wait3A_232] : memref<3x80xi32, #tpu.memory_space<vmem>> -> memref<1x80xi32, #tpu.memory_space<vmem>>
        %dma_wait3A_234 = tpu.memref_squeeze %dma_wait3A_233 : memref<1x80xi32, #tpu.memory_space<vmem>> -> memref<80xi32, #tpu.memory_space<vmem>>
        %dma_wait3A_235 = arith.constant 0 : i32
        %dma_wait3A_236 = tpu.memref_slice %arg11[%dma_wait3A_235] : memref<10240xf32, #tpu.memory_space<vmem_shared>> -> memref<10240xf32, #tpu.memory_space<vmem_shared>>
        tpu.wait_indirect_dma semaphore(%arg17 : memref<!tpu.dma_semaphore, #tpu.memory_space<semaphore_mem>>) src(%arg9 : memref<80xf32, #tpu.memory_space<vmem>>) dst(%dma_wait3A_236 : memref<10240xf32, #tpu.memory_space<vmem_shared>>)
      } else {
      }
      %add3A_122 = arith.constant 2 : i32
      %add3A_123 = arith.addi %add3A_96, %add3A_122 : i32
      %lt3A_124 = arith.constant 125 : i32
      %lt3A_125 = arith.cmpi slt, %add3A_123, %lt3A_124 : i32
      %mul3A_126 = arith.constant 125 : i32
      %mul3A_127 = arith.muli %arg1, %mul3A_126 : i32
      %add3A_128 = arith.addi %mul3A_127, %add3A_123 : i32
      %lt3A_129 = arith.constant 2000 : i32
      %lt3A_130 = arith.cmpi slt, %add3A_128, %lt3A_129 : i32
      %and3A_131 = arith.andi %lt3A_125, %lt3A_130 : i1
      %convert_element_type3A_132 = arith.extui %and3A_131 : i1 to i32
      %cond3A_133 = arith.constant 0 : i32
      %cond3A_134 = arith.cmpi ne, %convert_element_type3A_132, %cond3A_133 : i32
      scf.if %cond3A_134 {
        %mul3A_219 = arith.constant 2000 : i32
        %mul3A_220 = arith.muli %arg0, %mul3A_219 : i32
        %mul3A_221 = arith.constant 125 : i32
        %mul3A_222 = arith.muli %arg1, %mul3A_221 : i32
        %add3A_223 = arith.addi %mul3A_220, %mul3A_222 : i32
        %add3A_224 = arith.addi %add3A_223, %add3A_123 : i32
        %mul3A_225 = arith.constant 80 : i32
        %mul3A_226 = arith.muli %add3A_224, %mul3A_225 : i32
        %dma_start3A_227 = arith.constant 2 : i32
        %dma_start3A_228 = arith.constant 0 : i32
        %dma_start3A_229 = tpu.memref_slice %arg6[%dma_start3A_227, %dma_start3A_228] : memref<3x80xi32, #tpu.memory_space<vmem>> -> memref<1x80xi32, #tpu.memory_space<vmem>>
        %dma_start3A_230 = tpu.memref_squeeze %dma_start3A_229 : memref<1x80xi32, #tpu.memory_space<vmem>> -> memref<80xi32, #tpu.memory_space<vmem>>
        %dma_start3A_231 = tpu.memref_slice %arg3[%mul3A_226] : memref<320000xi32, #tpu.memory_space<hbm>> -> memref<80xi32, #tpu.memory_space<hbm>>
        %dma_start3A_232 = arith.constant 0 : i32
        %dma_start3A_233 = tpu.memref_slice %arg6[%dma_start3A_227, %dma_start3A_232] : memref<3x80xi32, #tpu.memory_space<vmem>> -> memref<1x80xi32, #tpu.memory_space<vmem>>
        %dma_start3A_234 = tpu.memref_squeeze %dma_start3A_233 : memref<1x80xi32, #tpu.memory_space<vmem>> -> memref<80xi32, #tpu.memory_space<vmem>>
        %dma_start3A_235 = tpu.memref_slice %arg3[%mul3A_226] : memref<320000xi32, #tpu.memory_space<hbm>> -> memref<80xi32, #tpu.memory_space<hbm>>
        tpu.enqueue_dma source(%dma_start3A_235 : memref<80xi32, #tpu.memory_space<hbm>>) target(%dma_start3A_234 : memref<80xi32, #tpu.memory_space<vmem>>) target_semaphore(%arg14 : memref<!tpu.dma_semaphore, #tpu.memory_space<semaphore_mem>>)
        %mul3A_236 = arith.constant 80 : i32
        %mul3A_237 = arith.muli %add3A_224, %mul3A_236 : i32
        %dma_start3A_238 = arith.constant 2 : i32
        %dma_start3A_239 = arith.constant 0 : i32
        %dma_start3A_240 = arith.constant 0 : i32
        %dma_start3A_241 = tpu.memref_slice %arg7[%dma_start3A_238, %dma_start3A_239, %dma_start3A_240] : memref<3x80x128xf32, #tpu.memory_space<vmem>> -> memref<1x80x128xf32, #tpu.memory_space<vmem>>
        %dma_start3A_242 = tpu.memref_squeeze %dma_start3A_241 : memref<1x80x128xf32, #tpu.memory_space<vmem>> -> memref<80x128xf32, #tpu.memory_space<vmem>>
        %dma_start3A_243 = arith.constant 0 : i32
        %dma_start3A_244 = tpu.memref_slice %arg2[%mul3A_237, %dma_start3A_243] : memref<320000x128xf32, #tpu.memory_space<hbm>> -> memref<80x128xf32, #tpu.memory_space<hbm>>
        %dma_start3A_245 = arith.constant 0 : i32
        %dma_start3A_246 = arith.constant 0 : i32
        %dma_start3A_247 = tpu.memref_slice %arg7[%dma_start3A_238, %dma_start3A_245, %dma_start3A_246] : memref<3x80x128xf32, #tpu.memory_space<vmem>> -> memref<1x80x128xf32, #tpu.memory_space<vmem>>
        %dma_start3A_248 = tpu.memref_squeeze %dma_start3A_247 : memref<1x80x128xf32, #tpu.memory_space<vmem>> -> memref<80x128xf32, #tpu.memory_space<vmem>>
        %dma_start3A_249 = arith.constant 0 : i32
        %dma_start3A_250 = tpu.memref_slice %arg2[%mul3A_237, %dma_start3A_249] : memref<320000x128xf32, #tpu.memory_space<hbm>> -> memref<80x128xf32, #tpu.memory_space<hbm>>
        tpu.enqueue_dma source(%dma_start3A_250 : memref<80x128xf32, #tpu.memory_space<hbm>>) target(%dma_start3A_248 : memref<80x128xf32, #tpu.memory_space<vmem>>) target_semaphore(%arg14 : memref<!tpu.dma_semaphore, #tpu.memory_space<semaphore_mem>>)
      } else {
      }
      %add3A_135 = arith.constant 1 : i32
      %add3A_136 = arith.addi %mul3A_94, %add3A_135 : i32
      %lt3A_137 = arith.constant 125 : i32
      %lt3A_138 = arith.cmpi slt, %add3A_136, %lt3A_137 : i32
      %mul3A_139 = arith.constant 125 : i32
      %mul3A_140 = arith.muli %arg1, %mul3A_139 : i32
      %add3A_141 = arith.addi %mul3A_140, %add3A_136 : i32
      %lt3A_142 = arith.constant 2000 : i32
      %lt3A_143 = arith.cmpi slt, %add3A_141, %lt3A_142 : i32
      %and3A_144 = arith.andi %lt3A_138, %lt3A_143 : i1
      %convert_element_type3A_145 = arith.extui %and3A_144 : i1 to i32
      %cond3A_146 = arith.constant 0 : i32
      %cond3A_147 = arith.cmpi ne, %convert_element_type3A_145, %cond3A_146 : i32
      scf.if %cond3A_147 {
        %dma_wait3A_219 = arith.constant 1 : i32
        %dma_wait3A_220 = arith.constant 0 : i32
        %dma_wait3A_221 = tpu.memref_slice %arg6[%dma_wait3A_219, %dma_wait3A_220] : memref<3x80xi32, #tpu.memory_space<vmem>> -> memref<1x80xi32, #tpu.memory_space<vmem>>
        %dma_wait3A_222 = tpu.memref_squeeze %dma_wait3A_221 : memref<1x80xi32, #tpu.memory_space<vmem>> -> memref<80xi32, #tpu.memory_space<vmem>>
        %dma_wait3A_223 = arith.constant 0 : i32
        %dma_wait3A_224 = tpu.memref_slice %arg3[%dma_wait3A_223] : memref<320000xi32, #tpu.memory_space<hbm>> -> memref<80xi32, #tpu.memory_space<hbm>>
        %dma_wait3A_225 = arith.constant 0 : i32
        %dma_wait3A_226 = tpu.memref_slice %arg6[%dma_wait3A_219, %dma_wait3A_225] : memref<3x80xi32, #tpu.memory_space<vmem>> -> memref<1x80xi32, #tpu.memory_space<vmem>>
        %dma_wait3A_227 = tpu.memref_squeeze %dma_wait3A_226 : memref<1x80xi32, #tpu.memory_space<vmem>> -> memref<80xi32, #tpu.memory_space<vmem>>
        %dma_wait3A_228 = arith.constant 0 : i32
        %dma_wait3A_229 = tpu.memref_slice %arg3[%dma_wait3A_228] : memref<320000xi32, #tpu.memory_space<hbm>> -> memref<80xi32, #tpu.memory_space<hbm>>
        tpu.wait_dma2 semaphore(%arg13 : memref<!tpu.dma_semaphore, #tpu.memory_space<semaphore_mem>>) src(%dma_wait3A_229 : memref<80xi32, #tpu.memory_space<hbm>>) dst(%dma_wait3A_227 : memref<80xi32, #tpu.memory_space<vmem>>)
        %dma_wait3A_230 = arith.constant 1 : i32
        %dma_wait3A_231 = arith.constant 0 : i32
        %dma_wait3A_232 = arith.constant 0 : i32
        %dma_wait3A_233 = tpu.memref_slice %arg7[%dma_wait3A_230, %dma_wait3A_231, %dma_wait3A_232] : memref<3x80x128xf32, #tpu.memory_space<vmem>> -> memref<1x80x128xf32, #tpu.memory_space<vmem>>
        %dma_wait3A_234 = tpu.memref_squeeze %dma_wait3A_233 : memref<1x80x128xf32, #tpu.memory_space<vmem>> -> memref<80x128xf32, #tpu.memory_space<vmem>>
        %dma_wait3A_235 = arith.constant 0 : i32
        %dma_wait3A_236 = arith.constant 0 : i32
        %dma_wait3A_237 = tpu.memref_slice %arg2[%dma_wait3A_235, %dma_wait3A_236] : memref<320000x128xf32, #tpu.memory_space<hbm>> -> memref<80x128xf32, #tpu.memory_space<hbm>>
        %dma_wait3A_238 = arith.constant 0 : i32
        %dma_wait3A_239 = arith.constant 0 : i32
        %dma_wait3A_240 = tpu.memref_slice %arg7[%dma_wait3A_230, %dma_wait3A_238, %dma_wait3A_239] : memref<3x80x128xf32, #tpu.memory_space<vmem>> -> memref<1x80x128xf32, #tpu.memory_space<vmem>>
        %dma_wait3A_241 = tpu.memref_squeeze %dma_wait3A_240 : memref<1x80x128xf32, #tpu.memory_space<vmem>> -> memref<80x128xf32, #tpu.memory_space<vmem>>
        %dma_wait3A_242 = arith.constant 0 : i32
        %dma_wait3A_243 = arith.constant 0 : i32
        %dma_wait3A_244 = tpu.memref_slice %arg2[%dma_wait3A_242, %dma_wait3A_243] : memref<320000x128xf32, #tpu.memory_space<hbm>> -> memref<80x128xf32, #tpu.memory_space<hbm>>
        tpu.wait_dma2 semaphore(%arg13 : memref<!tpu.dma_semaphore, #tpu.memory_space<semaphore_mem>>) src(%dma_wait3A_244 : memref<80x128xf32, #tpu.memory_space<hbm>>) dst(%dma_wait3A_241 : memref<80x128xf32, #tpu.memory_space<vmem>>)
        %dma_start3A_245 = arith.constant 1 : i32
        %dma_start3A_246 = arith.constant 1 : i32
        %dma_start3A_247 = arith.constant 0 : i32
        %dma_start3A_248 = arith.constant 0 : i32
        %dma_start3A_249 = tpu.memref_slice %arg7[%dma_start3A_245, %dma_start3A_247, %dma_start3A_248] : memref<3x80x128xf32, #tpu.memory_space<vmem>> -> memref<1x80x128xf32, #tpu.memory_space<vmem>>
        %dma_start3A_250 = tpu.memref_squeeze %dma_start3A_249 : memref<1x80x128xf32, #tpu.memory_space<vmem>> -> memref<80x128xf32, #tpu.memory_space<vmem>>
        %dma_start3A_251 = arith.constant 0 : i32
        %dma_start3A_252 = tpu.memref_slice %arg6[%dma_start3A_246, %dma_start3A_251] : memref<3x80xi32, #tpu.memory_space<vmem>> -> memref<1x80xi32, #tpu.memory_space<vmem>>
        %dma_start3A_253 = tpu.memref_squeeze %dma_start3A_252 : memref<1x80xi32, #tpu.memory_space<vmem>> -> memref<80xi32, #tpu.memory_space<vmem>>
        %dma_start3A_254 = arith.constant 0 : i32
        %dma_start3A_255 = arith.constant 0 : i32
        %dma_start3A_256 = tpu.memref_slice %arg10[%dma_start3A_254, %dma_start3A_255] : memref<10240x128xf32, #tpu.memory_space<vmem_shared>> -> memref<10240x128xf32, #tpu.memory_space<vmem_shared>>
        tpu.enqueue_indirect_dma source(%dma_start3A_250 : memref<80x128xf32, #tpu.memory_space<vmem>>) target(%dma_start3A_256 : memref<10240x128xf32, #tpu.memory_space<vmem_shared>>) offsets(%dma_start3A_253 : memref<80xi32, #tpu.memory_space<vmem>>) semaphore(%arg16 : memref<!tpu.dma_semaphore, #tpu.memory_space<semaphore_mem>>) {add = true}
        %dma_start3A_257 = arith.constant 1 : i32
        %dma_start3A_258 = arith.constant 0 : i32
        %dma_start3A_259 = tpu.memref_slice %arg6[%dma_start3A_257, %dma_start3A_258] : memref<3x80xi32, #tpu.memory_space<vmem>> -> memref<1x80xi32, #tpu.memory_space<vmem>>
        %dma_start3A_260 = tpu.memref_squeeze %dma_start3A_259 : memref<1x80xi32, #tpu.memory_space<vmem>> -> memref<80xi32, #tpu.memory_space<vmem>>
        %dma_start3A_261 = arith.constant 0 : i32
        %dma_start3A_262 = tpu.memref_slice %arg11[%dma_start3A_261] : memref<10240xf32, #tpu.memory_space<vmem_shared>> -> memref<10240xf32, #tpu.memory_space<vmem_shared>>
        tpu.enqueue_indirect_dma source(%arg9 : memref<80xf32, #tpu.memory_space<vmem>>) target(%dma_start3A_262 : memref<10240xf32, #tpu.memory_space<vmem_shared>>) offsets(%dma_start3A_260 : memref<80xi32, #tpu.memory_space<vmem>>) semaphore(%arg16 : memref<!tpu.dma_semaphore, #tpu.memory_space<semaphore_mem>>) {add = true}
      } else {
      }
      %sub3A_148 = arith.constant 1 : i32
      %sub3A_149 = arith.subi %add3A_136, %sub3A_148 : i32
      %ge3A_150 = arith.constant 0 : i32
      %ge3A_151 = arith.cmpi sge, %sub3A_149, %ge3A_150 : i32
      %lt3A_152 = arith.constant 125 : i32
      %lt3A_153 = arith.cmpi slt, %sub3A_149, %lt3A_152 : i32
      %mul3A_154 = arith.constant 125 : i32
      %mul3A_155 = arith.muli %arg1, %mul3A_154 : i32
      %add3A_156 = arith.addi %mul3A_155, %sub3A_149 : i32
      %lt3A_157 = arith.constant 2000 : i32
      %lt3A_158 = arith.cmpi slt, %add3A_156, %lt3A_157 : i32
      %and3A_159 = arith.andi %lt3A_153, %lt3A_158 : i1
      %and3A_160 = arith.andi %ge3A_151, %and3A_159 : i1
      %convert_element_type3A_161 = arith.extui %and3A_160 : i1 to i32
      %cond3A_162 = arith.constant 0 : i32
      %cond3A_163 = arith.cmpi ne, %convert_element_type3A_161, %cond3A_162 : i32
      scf.if %cond3A_163 {
        %dma_wait3A_219 = arith.constant 0 : i32
        %dma_wait3A_220 = arith.constant 0 : i32
        %dma_wait3A_221 = arith.constant 0 : i32
        %dma_wait3A_222 = arith.constant 0 : i32
        %dma_wait3A_223 = tpu.memref_slice %arg7[%dma_wait3A_219, %dma_wait3A_221, %dma_wait3A_222] : memref<3x80x128xf32, #tpu.memory_space<vmem>> -> memref<1x80x128xf32, #tpu.memory_space<vmem>>
        %dma_wait3A_224 = tpu.memref_squeeze %dma_wait3A_223 : memref<1x80x128xf32, #tpu.memory_space<vmem>> -> memref<80x128xf32, #tpu.memory_space<vmem>>
        %dma_wait3A_225 = arith.constant 0 : i32
        %dma_wait3A_226 = tpu.memref_slice %arg6[%dma_wait3A_220, %dma_wait3A_225] : memref<3x80xi32, #tpu.memory_space<vmem>> -> memref<1x80xi32, #tpu.memory_space<vmem>>
        %dma_wait3A_227 = tpu.memref_squeeze %dma_wait3A_226 : memref<1x80xi32, #tpu.memory_space<vmem>> -> memref<80xi32, #tpu.memory_space<vmem>>
        %dma_wait3A_228 = arith.constant 0 : i32
        %dma_wait3A_229 = arith.constant 0 : i32
        %dma_wait3A_230 = tpu.memref_slice %arg10[%dma_wait3A_228, %dma_wait3A_229] : memref<10240x128xf32, #tpu.memory_space<vmem_shared>> -> memref<10240x128xf32, #tpu.memory_space<vmem_shared>>
        tpu.wait_indirect_dma semaphore(%arg15 : memref<!tpu.dma_semaphore, #tpu.memory_space<semaphore_mem>>) src(%dma_wait3A_224 : memref<80x128xf32, #tpu.memory_space<vmem>>) dst(%dma_wait3A_230 : memref<10240x128xf32, #tpu.memory_space<vmem_shared>>)
        %dma_wait3A_231 = arith.constant 0 : i32
        %dma_wait3A_232 = arith.constant 0 : i32
        %dma_wait3A_233 = tpu.memref_slice %arg6[%dma_wait3A_231, %dma_wait3A_232] : memref<3x80xi32, #tpu.memory_space<vmem>> -> memref<1x80xi32, #tpu.memory_space<vmem>>
        %dma_wait3A_234 = tpu.memref_squeeze %dma_wait3A_233 : memref<1x80xi32, #tpu.memory_space<vmem>> -> memref<80xi32, #tpu.memory_space<vmem>>
        %dma_wait3A_235 = arith.constant 0 : i32
        %dma_wait3A_236 = tpu.memref_slice %arg11[%dma_wait3A_235] : memref<10240xf32, #tpu.memory_space<vmem_shared>> -> memref<10240xf32, #tpu.memory_space<vmem_shared>>
        tpu.wait_indirect_dma semaphore(%arg15 : memref<!tpu.dma_semaphore, #tpu.memory_space<semaphore_mem>>) src(%arg9 : memref<80xf32, #tpu.memory_space<vmem>>) dst(%dma_wait3A_236 : memref<10240xf32, #tpu.memory_space<vmem_shared>>)
      } else {
      }
      %add3A_164 = arith.constant 2 : i32
      %add3A_165 = arith.addi %add3A_136, %add3A_164 : i32
      %lt3A_166 = arith.constant 125 : i32
      %lt3A_167 = arith.cmpi slt, %add3A_165, %lt3A_166 : i32
      %mul3A_168 = arith.constant 125 : i32
      %mul3A_169 = arith.muli %arg1, %mul3A_168 : i32
      %add3A_170 = arith.addi %mul3A_169, %add3A_165 : i32
      %lt3A_171 = arith.constant 2000 : i32
      %lt3A_172 = arith.cmpi slt, %add3A_170, %lt3A_171 : i32
      %and3A_173 = arith.andi %lt3A_167, %lt3A_172 : i1
      %convert_element_type3A_174 = arith.extui %and3A_173 : i1 to i32
      %cond3A_175 = arith.constant 0 : i32
      %cond3A_176 = arith.cmpi ne, %convert_element_type3A_174, %cond3A_175 : i32
      scf.if %cond3A_176 {
        %mul3A_219 = arith.constant 2000 : i32
        %mul3A_220 = arith.muli %arg0, %mul3A_219 : i32
        %mul3A_221 = arith.constant 125 : i32
        %mul3A_222 = arith.muli %arg1, %mul3A_221 : i32
        %add3A_223 = arith.addi %mul3A_220, %mul3A_222 : i32
        %add3A_224 = arith.addi %add3A_223, %add3A_165 : i32
        %mul3A_225 = arith.constant 80 : i32
        %mul3A_226 = arith.muli %add3A_224, %mul3A_225 : i32
        %dma_start3A_227 = arith.constant 0 : i32
        %dma_start3A_228 = arith.constant 0 : i32
        %dma_start3A_229 = tpu.memref_slice %arg6[%dma_start3A_227, %dma_start3A_228] : memref<3x80xi32, #tpu.memory_space<vmem>> -> memref<1x80xi32, #tpu.memory_space<vmem>>
        %dma_start3A_230 = tpu.memref_squeeze %dma_start3A_229 : memref<1x80xi32, #tpu.memory_space<vmem>> -> memref<80xi32, #tpu.memory_space<vmem>>
        %dma_start3A_231 = tpu.memref_slice %arg3[%mul3A_226] : memref<320000xi32, #tpu.memory_space<hbm>> -> memref<80xi32, #tpu.memory_space<hbm>>
        %dma_start3A_232 = arith.constant 0 : i32
        %dma_start3A_233 = tpu.memref_slice %arg6[%dma_start3A_227, %dma_start3A_232] : memref<3x80xi32, #tpu.memory_space<vmem>> -> memref<1x80xi32, #tpu.memory_space<vmem>>
        %dma_start3A_234 = tpu.memref_squeeze %dma_start3A_233 : memref<1x80xi32, #tpu.memory_space<vmem>> -> memref<80xi32, #tpu.memory_space<vmem>>
        %dma_start3A_235 = tpu.memref_slice %arg3[%mul3A_226] : memref<320000xi32, #tpu.memory_space<hbm>> -> memref<80xi32, #tpu.memory_space<hbm>>
        tpu.enqueue_dma source(%dma_start3A_235 : memref<80xi32, #tpu.memory_space<hbm>>) target(%dma_start3A_234 : memref<80xi32, #tpu.memory_space<vmem>>) target_semaphore(%arg12 : memref<!tpu.dma_semaphore, #tpu.memory_space<semaphore_mem>>)
        %mul3A_236 = arith.constant 80 : i32
        %mul3A_237 = arith.muli %add3A_224, %mul3A_236 : i32
        %dma_start3A_238 = arith.constant 0 : i32
        %dma_start3A_239 = arith.constant 0 : i32
        %dma_start3A_240 = arith.constant 0 : i32
        %dma_start3A_241 = tpu.memref_slice %arg7[%dma_start3A_238, %dma_start3A_239, %dma_start3A_240] : memref<3x80x128xf32, #tpu.memory_space<vmem>> -> memref<1x80x128xf32, #tpu.memory_space<vmem>>
        %dma_start3A_242 = tpu.memref_squeeze %dma_start3A_241 : memref<1x80x128xf32, #tpu.memory_space<vmem>> -> memref<80x128xf32, #tpu.memory_space<vmem>>
        %dma_start3A_243 = arith.constant 0 : i32
        %dma_start3A_244 = tpu.memref_slice %arg2[%mul3A_237, %dma_start3A_243] : memref<320000x128xf32, #tpu.memory_space<hbm>> -> memref<80x128xf32, #tpu.memory_space<hbm>>
        %dma_start3A_245 = arith.constant 0 : i32
        %dma_start3A_246 = arith.constant 0 : i32
        %dma_start3A_247 = tpu.memref_slice %arg7[%dma_start3A_238, %dma_start3A_245, %dma_start3A_246] : memref<3x80x128xf32, #tpu.memory_space<vmem>> -> memref<1x80x128xf32, #tpu.memory_space<vmem>>
        %dma_start3A_248 = tpu.memref_squeeze %dma_start3A_247 : memref<1x80x128xf32, #tpu.memory_space<vmem>> -> memref<80x128xf32, #tpu.memory_space<vmem>>
        %dma_start3A_249 = arith.constant 0 : i32
        %dma_start3A_250 = tpu.memref_slice %arg2[%mul3A_237, %dma_start3A_249] : memref<320000x128xf32, #tpu.memory_space<hbm>> -> memref<80x128xf32, #tpu.memory_space<hbm>>
        tpu.enqueue_dma source(%dma_start3A_250 : memref<80x128xf32, #tpu.memory_space<hbm>>) target(%dma_start3A_248 : memref<80x128xf32, #tpu.memory_space<vmem>>) target_semaphore(%arg12 : memref<!tpu.dma_semaphore, #tpu.memory_space<semaphore_mem>>)
      } else {
      }
      %add3A_177 = arith.constant 2 : i32
      %add3A_178 = arith.addi %mul3A_94, %add3A_177 : i32
      %lt3A_179 = arith.constant 125 : i32
      %lt3A_180 = arith.cmpi slt, %add3A_178, %lt3A_179 : i32
      %mul3A_181 = arith.constant 125 : i32
      %mul3A_182 = arith.muli %arg1, %mul3A_181 : i32
      %add3A_183 = arith.addi %mul3A_182, %add3A_178 : i32
      %lt3A_184 = arith.constant 2000 : i32
      %lt3A_185 = arith.cmpi slt, %add3A_183, %lt3A_184 : i32
      %and3A_186 = arith.andi %lt3A_180, %lt3A_185 : i1
      %convert_element_type3A_187 = arith.extui %and3A_186 : i1 to i32
      %cond3A_188 = arith.constant 0 : i32
      %cond3A_189 = arith.cmpi ne, %convert_element_type3A_187, %cond3A_188 : i32
      scf.if %cond3A_189 {
        %dma_wait3A_219 = arith.constant 2 : i32
        %dma_wait3A_220 = arith.constant 0 : i32
        %dma_wait3A_221 = tpu.memref_slice %arg6[%dma_wait3A_219, %dma_wait3A_220] : memref<3x80xi32, #tpu.memory_space<vmem>> -> memref<1x80xi32, #tpu.memory_space<vmem>>
        %dma_wait3A_222 = tpu.memref_squeeze %dma_wait3A_221 : memref<1x80xi32, #tpu.memory_space<vmem>> -> memref<80xi32, #tpu.memory_space<vmem>>
        %dma_wait3A_223 = arith.constant 0 : i32
        %dma_wait3A_224 = tpu.memref_slice %arg3[%dma_wait3A_223] : memref<320000xi32, #tpu.memory_space<hbm>> -> memref<80xi32, #tpu.memory_space<hbm>>
        %dma_wait3A_225 = arith.constant 0 : i32
        %dma_wait3A_226 = tpu.memref_slice %arg6[%dma_wait3A_219, %dma_wait3A_225] : memref<3x80xi32, #tpu.memory_space<vmem>> -> memref<1x80xi32, #tpu.memory_space<vmem>>
        %dma_wait3A_227 = tpu.memref_squeeze %dma_wait3A_226 : memref<1x80xi32, #tpu.memory_space<vmem>> -> memref<80xi32, #tpu.memory_space<vmem>>
        %dma_wait3A_228 = arith.constant 0 : i32
        %dma_wait3A_229 = tpu.memref_slice %arg3[%dma_wait3A_228] : memref<320000xi32, #tpu.memory_space<hbm>> -> memref<80xi32, #tpu.memory_space<hbm>>
        tpu.wait_dma2 semaphore(%arg14 : memref<!tpu.dma_semaphore, #tpu.memory_space<semaphore_mem>>) src(%dma_wait3A_229 : memref<80xi32, #tpu.memory_space<hbm>>) dst(%dma_wait3A_227 : memref<80xi32, #tpu.memory_space<vmem>>)
        %dma_wait3A_230 = arith.constant 2 : i32
        %dma_wait3A_231 = arith.constant 0 : i32
        %dma_wait3A_232 = arith.constant 0 : i32
        %dma_wait3A_233 = tpu.memref_slice %arg7[%dma_wait3A_230, %dma_wait3A_231, %dma_wait3A_232] : memref<3x80x128xf32, #tpu.memory_space<vmem>> -> memref<1x80x128xf32, #tpu.memory_space<vmem>>
        %dma_wait3A_234 = tpu.memref_squeeze %dma_wait3A_233 : memref<1x80x128xf32, #tpu.memory_space<vmem>> -> memref<80x128xf32, #tpu.memory_space<vmem>>
        %dma_wait3A_235 = arith.constant 0 : i32
        %dma_wait3A_236 = arith.constant 0 : i32
        %dma_wait3A_237 = tpu.memref_slice %arg2[%dma_wait3A_235, %dma_wait3A_236] : memref<320000x128xf32, #tpu.memory_space<hbm>> -> memref<80x128xf32, #tpu.memory_space<hbm>>
        %dma_wait3A_238 = arith.constant 0 : i32
        %dma_wait3A_239 = arith.constant 0 : i32
        %dma_wait3A_240 = tpu.memref_slice %arg7[%dma_wait3A_230, %dma_wait3A_238, %dma_wait3A_239] : memref<3x80x128xf32, #tpu.memory_space<vmem>> -> memref<1x80x128xf32, #tpu.memory_space<vmem>>
        %dma_wait3A_241 = tpu.memref_squeeze %dma_wait3A_240 : memref<1x80x128xf32, #tpu.memory_space<vmem>> -> memref<80x128xf32, #tpu.memory_space<vmem>>
        %dma_wait3A_242 = arith.constant 0 : i32
        %dma_wait3A_243 = arith.constant 0 : i32
        %dma_wait3A_244 = tpu.memref_slice %arg2[%dma_wait3A_242, %dma_wait3A_243] : memref<320000x128xf32, #tpu.memory_space<hbm>> -> memref<80x128xf32, #tpu.memory_space<hbm>>
        tpu.wait_dma2 semaphore(%arg14 : memref<!tpu.dma_semaphore, #tpu.memory_space<semaphore_mem>>) src(%dma_wait3A_244 : memref<80x128xf32, #tpu.memory_space<hbm>>) dst(%dma_wait3A_241 : memref<80x128xf32, #tpu.memory_space<vmem>>)
        %dma_start3A_245 = arith.constant 2 : i32
        %dma_start3A_246 = arith.constant 2 : i32
        %dma_start3A_247 = arith.constant 0 : i32
        %dma_start3A_248 = arith.constant 0 : i32
        %dma_start3A_249 = tpu.memref_slice %arg7[%dma_start3A_245, %dma_start3A_247, %dma_start3A_248] : memref<3x80x128xf32, #tpu.memory_space<vmem>> -> memref<1x80x128xf32, #tpu.memory_space<vmem>>
        %dma_start3A_250 = tpu.memref_squeeze %dma_start3A_249 : memref<1x80x128xf32, #tpu.memory_space<vmem>> -> memref<80x128xf32, #tpu.memory_space<vmem>>
        %dma_start3A_251 = arith.constant 0 : i32
        %dma_start3A_252 = tpu.memref_slice %arg6[%dma_start3A_246, %dma_start3A_251] : memref<3x80xi32, #tpu.memory_space<vmem>> -> memref<1x80xi32, #tpu.memory_space<vmem>>
        %dma_start3A_253 = tpu.memref_squeeze %dma_start3A_252 : memref<1x80xi32, #tpu.memory_space<vmem>> -> memref<80xi32, #tpu.memory_space<vmem>>
        %dma_start3A_254 = arith.constant 0 : i32
        %dma_start3A_255 = arith.constant 0 : i32
        %dma_start3A_256 = tpu.memref_slice %arg10[%dma_start3A_254, %dma_start3A_255] : memref<10240x128xf32, #tpu.memory_space<vmem_shared>> -> memref<10240x128xf32, #tpu.memory_space<vmem_shared>>
        tpu.enqueue_indirect_dma source(%dma_start3A_250 : memref<80x128xf32, #tpu.memory_space<vmem>>) target(%dma_start3A_256 : memref<10240x128xf32, #tpu.memory_space<vmem_shared>>) offsets(%dma_start3A_253 : memref<80xi32, #tpu.memory_space<vmem>>) semaphore(%arg17 : memref<!tpu.dma_semaphore, #tpu.memory_space<semaphore_mem>>) {add = true}
        %dma_start3A_257 = arith.constant 2 : i32
        %dma_start3A_258 = arith.constant 0 : i32
        %dma_start3A_259 = tpu.memref_slice %arg6[%dma_start3A_257, %dma_start3A_258] : memref<3x80xi32, #tpu.memory_space<vmem>> -> memref<1x80xi32, #tpu.memory_space<vmem>>
        %dma_start3A_260 = tpu.memref_squeeze %dma_start3A_259 : memref<1x80xi32, #tpu.memory_space<vmem>> -> memref<80xi32, #tpu.memory_space<vmem>>
        %dma_start3A_261 = arith.constant 0 : i32
        %dma_start3A_262 = tpu.memref_slice %arg11[%dma_start3A_261] : memref<10240xf32, #tpu.memory_space<vmem_shared>> -> memref<10240xf32, #tpu.memory_space<vmem_shared>>
        tpu.enqueue_indirect_dma source(%arg9 : memref<80xf32, #tpu.memory_space<vmem>>) target(%dma_start3A_262 : memref<10240xf32, #tpu.memory_space<vmem_shared>>) offsets(%dma_start3A_260 : memref<80xi32, #tpu.memory_space<vmem>>) semaphore(%arg17 : memref<!tpu.dma_semaphore, #tpu.memory_space<semaphore_mem>>) {add = true}
      } else {
      }
      %sub3A_190 = arith.constant 1 : i32
      %sub3A_191 = arith.subi %add3A_178, %sub3A_190 : i32
      %ge3A_192 = arith.constant 0 : i32
      %ge3A_193 = arith.cmpi sge, %sub3A_191, %ge3A_192 : i32
      %lt3A_194 = arith.constant 125 : i32
      %lt3A_195 = arith.cmpi slt, %sub3A_191, %lt3A_194 : i32
      %mul3A_196 = arith.constant 125 : i32
      %mul3A_197 = arith.muli %arg1, %mul3A_196 : i32
      %add3A_198 = arith.addi %mul3A_197, %sub3A_191 : i32
      %lt3A_199 = arith.constant 2000 : i32
      %lt3A_200 = arith.cmpi slt, %add3A_198, %lt3A_199 : i32
      %and3A_201 = arith.andi %lt3A_195, %lt3A_200 : i1
      %and3A_202 = arith.andi %ge3A_193, %and3A_201 : i1
      %convert_element_type3A_203 = arith.extui %and3A_202 : i1 to i32
      %cond3A_204 = arith.constant 0 : i32
      %cond3A_205 = arith.cmpi ne, %convert_element_type3A_203, %cond3A_204 : i32
      scf.if %cond3A_205 {
        %dma_wait3A_219 = arith.constant 1 : i32
        %dma_wait3A_220 = arith.constant 1 : i32
        %dma_wait3A_221 = arith.constant 0 : i32
        %dma_wait3A_222 = arith.constant 0 : i32
        %dma_wait3A_223 = tpu.memref_slice %arg7[%dma_wait3A_219, %dma_wait3A_221, %dma_wait3A_222] : memref<3x80x128xf32, #tpu.memory_space<vmem>> -> memref<1x80x128xf32, #tpu.memory_space<vmem>>
        %dma_wait3A_224 = tpu.memref_squeeze %dma_wait3A_223 : memref<1x80x128xf32, #tpu.memory_space<vmem>> -> memref<80x128xf32, #tpu.memory_space<vmem>>
        %dma_wait3A_225 = arith.constant 0 : i32
        %dma_wait3A_226 = tpu.memref_slice %arg6[%dma_wait3A_220, %dma_wait3A_225] : memref<3x80xi32, #tpu.memory_space<vmem>> -> memref<1x80xi32, #tpu.memory_space<vmem>>
        %dma_wait3A_227 = tpu.memref_squeeze %dma_wait3A_226 : memref<1x80xi32, #tpu.memory_space<vmem>> -> memref<80xi32, #tpu.memory_space<vmem>>
        %dma_wait3A_228 = arith.constant 0 : i32
        %dma_wait3A_229 = arith.constant 0 : i32
        %dma_wait3A_230 = tpu.memref_slice %arg10[%dma_wait3A_228, %dma_wait3A_229] : memref<10240x128xf32, #tpu.memory_space<vmem_shared>> -> memref<10240x128xf32, #tpu.memory_space<vmem_shared>>
        tpu.wait_indirect_dma semaphore(%arg16 : memref<!tpu.dma_semaphore, #tpu.memory_space<semaphore_mem>>) src(%dma_wait3A_224 : memref<80x128xf32, #tpu.memory_space<vmem>>) dst(%dma_wait3A_230 : memref<10240x128xf32, #tpu.memory_space<vmem_shared>>)
        %dma_wait3A_231 = arith.constant 1 : i32
        %dma_wait3A_232 = arith.constant 0 : i32
        %dma_wait3A_233 = tpu.memref_slice %arg6[%dma_wait3A_231, %dma_wait3A_232] : memref<3x80xi32, #tpu.memory_space<vmem>> -> memref<1x80xi32, #tpu.memory_space<vmem>>
        %dma_wait3A_234 = tpu.memref_squeeze %dma_wait3A_233 : memref<1x80xi32, #tpu.memory_space<vmem>> -> memref<80xi32, #tpu.memory_space<vmem>>
        %dma_wait3A_235 = arith.constant 0 : i32
        %dma_wait3A_236 = tpu.memref_slice %arg11[%dma_wait3A_235] : memref<10240xf32, #tpu.memory_space<vmem_shared>> -> memref<10240xf32, #tpu.memory_space<vmem_shared>>
        tpu.wait_indirect_dma semaphore(%arg16 : memref<!tpu.dma_semaphore, #tpu.memory_space<semaphore_mem>>) src(%arg9 : memref<80xf32, #tpu.memory_space<vmem>>) dst(%dma_wait3A_236 : memref<10240xf32, #tpu.memory_space<vmem_shared>>)
      } else {
      }
      %add3A_206 = arith.constant 2 : i32
      %add3A_207 = arith.addi %add3A_178, %add3A_206 : i32
      %lt3A_208 = arith.constant 125 : i32
      %lt3A_209 = arith.cmpi slt, %add3A_207, %lt3A_208 : i32
      %mul3A_210 = arith.constant 125 : i32
      %mul3A_211 = arith.muli %arg1, %mul3A_210 : i32
      %add3A_212 = arith.addi %mul3A_211, %add3A_207 : i32
      %lt3A_213 = arith.constant 2000 : i32
      %lt3A_214 = arith.cmpi slt, %add3A_212, %lt3A_213 : i32
      %and3A_215 = arith.andi %lt3A_209, %lt3A_214 : i1
      %convert_element_type3A_216 = arith.extui %and3A_215 : i1 to i32
      %cond3A_217 = arith.constant 0 : i32
      %cond3A_218 = arith.cmpi ne, %convert_element_type3A_216, %cond3A_217 : i32
      scf.if %cond3A_218 {
        %mul3A_219 = arith.constant 2000 : i32
        %mul3A_220 = arith.muli %arg0, %mul3A_219 : i32
        %mul3A_221 = arith.constant 125 : i32
        %mul3A_222 = arith.muli %arg1, %mul3A_221 : i32
        %add3A_223 = arith.addi %mul3A_220, %mul3A_222 : i32
        %add3A_224 = arith.addi %add3A_223, %add3A_207 : i32
        %mul3A_225 = arith.constant 80 : i32
        %mul3A_226 = arith.muli %add3A_224, %mul3A_225 : i32
        %dma_start3A_227 = arith.constant 1 : i32
        %dma_start3A_228 = arith.constant 0 : i32
        %dma_start3A_229 = tpu.memref_slice %arg6[%dma_start3A_227, %dma_start3A_228] : memref<3x80xi32, #tpu.memory_space<vmem>> -> memref<1x80xi32, #tpu.memory_space<vmem>>
        %dma_start3A_230 = tpu.memref_squeeze %dma_start3A_229 : memref<1x80xi32, #tpu.memory_space<vmem>> -> memref<80xi32, #tpu.memory_space<vmem>>
        %dma_start3A_231 = tpu.memref_slice %arg3[%mul3A_226] : memref<320000xi32, #tpu.memory_space<hbm>> -> memref<80xi32, #tpu.memory_space<hbm>>
        %dma_start3A_232 = arith.constant 0 : i32
        %dma_start3A_233 = tpu.memref_slice %arg6[%dma_start3A_227, %dma_start3A_232] : memref<3x80xi32, #tpu.memory_space<vmem>> -> memref<1x80xi32, #tpu.memory_space<vmem>>
        %dma_start3A_234 = tpu.memref_squeeze %dma_start3A_233 : memref<1x80xi32, #tpu.memory_space<vmem>> -> memref<80xi32, #tpu.memory_space<vmem>>
        %dma_start3A_235 = tpu.memref_slice %arg3[%mul3A_226] : memref<320000xi32, #tpu.memory_space<hbm>> -> memref<80xi32, #tpu.memory_space<hbm>>
        tpu.enqueue_dma source(%dma_start3A_235 : memref<80xi32, #tpu.memory_space<hbm>>) target(%dma_start3A_234 : memref<80xi32, #tpu.memory_space<vmem>>) target_semaphore(%arg13 : memref<!tpu.dma_semaphore, #tpu.memory_space<semaphore_mem>>)
        %mul3A_236 = arith.constant 80 : i32
        %mul3A_237 = arith.muli %add3A_224, %mul3A_236 : i32
        %dma_start3A_238 = arith.constant 1 : i32
        %dma_start3A_239 = arith.constant 0 : i32
        %dma_start3A_240 = arith.constant 0 : i32
        %dma_start3A_241 = tpu.memref_slice %arg7[%dma_start3A_238, %dma_start3A_239, %dma_start3A_240] : memref<3x80x128xf32, #tpu.memory_space<vmem>> -> memref<1x80x128xf32, #tpu.memory_space<vmem>>
        %dma_start3A_242 = tpu.memref_squeeze %dma_start3A_241 : memref<1x80x128xf32, #tpu.memory_space<vmem>> -> memref<80x128xf32, #tpu.memory_space<vmem>>
        %dma_start3A_243 = arith.constant 0 : i32
        %dma_start3A_244 = tpu.memref_slice %arg2[%mul3A_237, %dma_start3A_243] : memref<320000x128xf32, #tpu.memory_space<hbm>> -> memref<80x128xf32, #tpu.memory_space<hbm>>
        %dma_start3A_245 = arith.constant 0 : i32
        %dma_start3A_246 = arith.constant 0 : i32
        %dma_start3A_247 = tpu.memref_slice %arg7[%dma_start3A_238, %dma_start3A_245, %dma_start3A_246] : memref<3x80x128xf32, #tpu.memory_space<vmem>> -> memref<1x80x128xf32, #tpu.memory_space<vmem>>
        %dma_start3A_248 = tpu.memref_squeeze %dma_start3A_247 : memref<1x80x128xf32, #tpu.memory_space<vmem>> -> memref<80x128xf32, #tpu.memory_space<vmem>>
        %dma_start3A_249 = arith.constant 0 : i32
        %dma_start3A_250 = tpu.memref_slice %arg2[%mul3A_237, %dma_start3A_249] : memref<320000x128xf32, #tpu.memory_space<hbm>> -> memref<80x128xf32, #tpu.memory_space<hbm>>
        tpu.enqueue_dma source(%dma_start3A_250 : memref<80x128xf32, #tpu.memory_space<hbm>>) target(%dma_start3A_248 : memref<80x128xf32, #tpu.memory_space<vmem>>) target_semaphore(%arg13 : memref<!tpu.dma_semaphore, #tpu.memory_space<semaphore_mem>>)
      } else {
      }
    }
    %scan3A_76 = arith.constant 43 : i32
    %barrier3A_77 = arith.constant 0 : index
    tpu.barrier barrier_id(%barrier3A_77)
    %dma_start3A = arith.constant 0 : i32
    %dma_start3A_78 = tpu.memref_slice %arg4[%arg0, %mul3A_31, %dma_start3A] : memref<2x10240x128xf32, #tpu.memory_space<hbm>> -> memref<1x640x128xf32, #tpu.memory_space<hbm>>
    %dma_start3A_79 = tpu.memref_squeeze %dma_start3A_78 : memref<1x640x128xf32, #tpu.memory_space<hbm>> -> memref<640x128xf32, #tpu.memory_space<hbm>>
    %dma_start3A_80 = arith.constant 0 : i32
    %dma_start3A_81 = tpu.memref_slice %arg10[%mul3A_31, %dma_start3A_80] : memref<10240x128xf32, #tpu.memory_space<vmem_shared>> -> memref<640x128xf32, #tpu.memory_space<vmem_shared>>
    tpu.enqueue_dma source(%dma_start3A_81 : memref<640x128xf32, #tpu.memory_space<vmem_shared>>) target(%dma_start3A_79 : memref<640x128xf32, #tpu.memory_space<hbm>>) target_semaphore(%arg12 : memref<!tpu.dma_semaphore, #tpu.memory_space<semaphore_mem>>)
    %dma_start3A_82 = tpu.memref_slice %arg5[%arg0, %mul3A_31] : memref<2x10240xf32, #tpu.memory_space<hbm>> -> memref<1x640xf32, #tpu.memory_space<hbm>>
    %dma_start3A_83 = tpu.memref_squeeze %dma_start3A_82 : memref<1x640xf32, #tpu.memory_space<hbm>> -> memref<640xf32, #tpu.memory_space<hbm>>
    %dma_start3A_84 = tpu.memref_slice %arg11[%mul3A_31] : memref<10240xf32, #tpu.memory_space<vmem_shared>> -> memref<640xf32, #tpu.memory_space<vmem_shared>>
    tpu.enqueue_dma source(%dma_start3A_84 : memref<640xf32, #tpu.memory_space<vmem_shared>>) target(%dma_start3A_83 : memref<640xf32, #tpu.memory_space<hbm>>) target_semaphore(%arg13 : memref<!tpu.dma_semaphore, #tpu.memory_space<semaphore_mem>>)
    %dma_wait3A = arith.constant 0 : i32
    %dma_wait3A_85 = tpu.memref_slice %arg4[%arg0, %mul3A_31, %dma_wait3A] : memref<2x10240x128xf32, #tpu.memory_space<hbm>> -> memref<1x640x128xf32, #tpu.memory_space<hbm>>
    %dma_wait3A_86 = tpu.memref_squeeze %dma_wait3A_85 : memref<1x640x128xf32, #tpu.memory_space<hbm>> -> memref<640x128xf32, #tpu.memory_space<hbm>>
    %dma_wait3A_87 = arith.constant 0 : i32
    %dma_wait3A_88 = tpu.memref_slice %arg10[%mul3A_31, %dma_wait3A_87] : memref<10240x128xf32, #tpu.memory_space<vmem_shared>> -> memref<640x128xf32, #tpu.memory_space<vmem_shared>>
    tpu.wait_dma2 semaphore(%arg12 : memref<!tpu.dma_semaphore, #tpu.memory_space<semaphore_mem>>) src(%dma_wait3A_88 : memref<640x128xf32, #tpu.memory_space<vmem_shared>>) dst(%dma_wait3A_86 : memref<640x128xf32, #tpu.memory_space<hbm>>)
    %dma_wait3A_89 = tpu.memref_slice %arg5[%arg0, %mul3A_31] : memref<2x10240xf32, #tpu.memory_space<hbm>> -> memref<1x640xf32, #tpu.memory_space<hbm>>
    %dma_wait3A_90 = tpu.memref_squeeze %dma_wait3A_89 : memref<1x640xf32, #tpu.memory_space<hbm>> -> memref<640xf32, #tpu.memory_space<hbm>>
    %dma_wait3A_91 = tpu.memref_slice %arg11[%mul3A_31] : memref<10240xf32, #tpu.memory_space<vmem_shared>> -> memref<640xf32, #tpu.memory_space<vmem_shared>>
    tpu.wait_dma2 semaphore(%arg13 : memref<!tpu.dma_semaphore, #tpu.memory_space<semaphore_mem>>) src(%dma_wait3A_91 : memref<640xf32, #tpu.memory_space<vmem_shared>>) dst(%dma_wait3A_90 : memref<640xf32, #tpu.memory_space<hbm>>)
    return
  }
}

module attributes {stable_mosaic.version = 14 : i64} {
  func.func @_self_body(%arg0: i32, %arg1: memref<1024x128xf32, #tpu.memory_space<vmem>>, %arg2: memref<128x128xf32, #tpu.memory_space<vmem>>, %arg3: memref<1024x128xf32, #tpu.memory_space<vmem>>) attributes {dimension_semantics = [#tpu.dimension_semantics<arbitrary>], iteration_bounds = array<i64: 10>, scalar_prefetch = 0 : i64, scratch_operands = 0 : i64, tpu.core_type = #tpu.core_type<tc>, window_params = [{transform_indices = @transform_0, window_bounds = array<i64: 1024, 128>}, {transform_indices = @transform_1, window_bounds = array<i64: 128, 128>}, {transform_indices = @transform_2, window_bounds = array<i64: 1024, 128>}]} {
    %get3A = arith.constant 0 : index
    %get3A_0 = arith.constant 0 : index
    %get3A_1 = vector.load %arg1[%get3A, %get3A_0] : memref<1024x128xf32, #tpu.memory_space<vmem>>, vector<1024x128xf32>
    %get3A_2 = arith.constant 0 : index
    %get3A_3 = arith.constant 0 : index
    %get3A_4 = vector.load %arg2[%get3A_2, %get3A_3] : memref<128x128xf32, #tpu.memory_space<vmem>>, vector<128x128xf32>
    %dot_general3A = arith.constant dense<0.000000e+00> : vector<1024x128xf32>
    %dot_general3A_5 = tpu.matmul %get3A_1, %get3A_4, %dot_general3A {dimension_numbers = #tpu.dot_dimension_numbers<[1], [0], [0], [1], [0, 0, 1, 1], [], []>, transpose_lhs_hint = false} : vector<1024x128xf32>, vector<128x128xf32>, vector<1024x128xf32> -> vector<1024x128xf32>
    %swap3A = arith.constant 0 : index
    %swap3A_6 = arith.constant 0 : index
    %swap3A_7 = vector.load %arg3[%swap3A, %swap3A_6] : memref<1024x128xf32, #tpu.memory_space<vmem>>, vector<1024x128xf32>
    tpu.vector_store %arg3[%swap3A, %swap3A_6], %dot_general3A_5 {strides = array<i32>} : memref<1024x128xf32, #tpu.memory_space<vmem>>, vector<1024x128xf32>,
    return
  }
  func.func @transform_0(%arg0: i32) -> (i32, i32) {
    %c0_i32 = arith.constant 0 : i32
    %c0_i32_0 = arith.constant 0 : i32
    return %arg0, %c0_i32 : i32, i32
  }
  func.func @transform_1(%arg0: i32) -> (i32, i32) {
    %c0_i32 = arith.constant 0 : i32
    %c0_i32_0 = arith.constant 0 : i32
    %c0_i32_1 = arith.constant 0 : i32
    return %c0_i32, %c0_i32_0 : i32, i32
  }
  func.func @transform_2(%arg0: i32) -> (i32, i32) {
    %c0_i32 = arith.constant 0 : i32
    %c0_i32_0 = arith.constant 0 : i32
    return %arg0, %c0_i32 : i32, i32
  }
}

module attributes {stable_mosaic.version = 14 : i64} {
  func.func @_tc_body(%arg0: i32, %arg1: memref<1024x128xf32, #tpu.memory_space<vmem>>, %arg2: memref<2x1024x128xf32, #tpu.memory_space<vmem>>, %arg3: memref<2x10240xf32, #tpu.memory_space<vmem>>, %arg4: memref<128x128xf32, #tpu.memory_space<vmem>>, %arg5: memref<1024x128xf32, #tpu.memory_space<vmem>>) attributes {dimension_semantics = [#tpu.dimension_semantics<arbitrary>], iteration_bounds = array<i64: 10>, scalar_prefetch = 0 : i64, scratch_operands = 0 : i64, tpu.core_type = #tpu.core_type<tc>, window_params = [{transform_indices = @transform_0, window_bounds = array<i64: 1024, 128>}, {transform_indices = @transform_1, window_bounds = array<i64: 2, 1024, 128>}, {pipeline_mode = #tpu.pipeline_mode<synchronous>, transform_indices = @transform_2, window_bounds = array<i64: 2, 10240>}, {transform_indices = @transform_3, window_bounds = array<i64: 128, 128>}, {transform_indices = @transform_4, window_bounds = array<i64: 1024, 128>}]} {
    %get3A = arith.constant 0 : index
    %get3A_0 = arith.constant 0 : index
    %get3A_1 = arith.constant 0 : index
    %get3A_2 = vector.load %arg2[%get3A, %get3A_0, %get3A_1] : memref<2x1024x128xf32, #tpu.memory_space<vmem>>, vector<1x1024x128xf32>
    %get3A_3 = vector.shape_cast %get3A_2 : vector<1x1024x128xf32> to vector<1024x128xf32>
    %get3A_4 = arith.constant 1 : index
    %get3A_5 = arith.constant 0 : index
    %get3A_6 = arith.constant 0 : index
    %get3A_7 = vector.load %arg2[%get3A_4, %get3A_5, %get3A_6] : memref<2x1024x128xf32, #tpu.memory_space<vmem>>, vector<1x1024x128xf32>
    %get3A_8 = vector.shape_cast %get3A_7 : vector<1x1024x128xf32> to vector<1024x128xf32>
    %add3A = arith.addf %get3A_3, %get3A_8 : vector<1024x128xf32>
    %mul3A = arith.constant 1024 : i32
    %mul3A_9 = arith.muli %arg0, %mul3A : i32
    %get3A_10 = arith.constant 0 : index
    %get3A_11 = arith.index_cast %mul3A_9 : i32 to index
    %get3A_12 = vector.load %arg3[%get3A_10, %get3A_11] : memref<2x10240xf32, #tpu.memory_space<vmem>>, vector<1x1024xf32>
    %get3A_13 = vector.shape_cast %get3A_12 : vector<1x1024xf32> to vector<1024xf32>
    %mul3A_14 = arith.constant 1024 : i32
    %mul3A_15 = arith.muli %arg0, %mul3A_14 : i32
    %get3A_16 = arith.constant 1 : index
    %get3A_17 = arith.index_cast %mul3A_15 : i32 to index
    %get3A_18 = vector.load %arg3[%get3A_16, %get3A_17] : memref<2x10240xf32, #tpu.memory_space<vmem>>, vector<1x1024xf32>
    %get3A_19 = vector.shape_cast %get3A_18 : vector<1x1024xf32> to vector<1024xf32>
    %add3A_20 = arith.addf %get3A_13, %get3A_19 : vector<1024xf32>
    %max3A = arith.constant 1.000000e+00 : f32
    %max3A_21 = vector.broadcast %max3A : f32 to vector<1024xf32>
    %max3A_22 = arith.maximumf %add3A_20, %max3A_21 : vector<1024xf32>
    %div3A = arith.constant 1.000000e+00 : f32
    %div3A_23 = vector.broadcast %div3A : f32 to vector<1024xf32>
    %div3A_24 = arith.divf %div3A_23, %max3A_22 : vector<1024xf32>
    %broadcast_in_dim3A = vector.shape_cast %div3A_24 : vector<1024xf32> to vector<1024x1xf32>
    %mul3A_25 = vector.broadcast %broadcast_in_dim3A : vector<1024x1xf32> to vector<1024x128xf32>
    %mul3A_26 = arith.mulf %add3A, %mul3A_25 : vector<1024x128xf32>
    %get3A_27 = arith.constant 0 : index
    %get3A_28 = arith.constant 0 : index
    %get3A_29 = vector.load %arg1[%get3A_27, %get3A_28] : memref<1024x128xf32, #tpu.memory_space<vmem>>, vector<1024x128xf32>
    %get3A_30 = arith.constant 0 : index
    %get3A_31 = arith.constant 0 : index
    %get3A_32 = vector.load %arg4[%get3A_30, %get3A_31] : memref<128x128xf32, #tpu.memory_space<vmem>>, vector<128x128xf32>
    %dot_general3A = arith.constant dense<0.000000e+00> : vector<1024x128xf32>
    %dot_general3A_33 = tpu.matmul %mul3A_26, %get3A_32, %dot_general3A {dimension_numbers = #tpu.dot_dimension_numbers<[1], [0], [0], [1], [0, 0, 1, 1], [], []>, transpose_lhs_hint = false} : vector<1024x128xf32>, vector<128x128xf32>, vector<1024x128xf32> -> vector<1024x128xf32>
    %add3A_34 = arith.addf %get3A_29, %dot_general3A_33 : vector<1024x128xf32>
    %swap3A = arith.constant 0 : index
    %swap3A_35 = arith.constant 0 : index
    %swap3A_36 = vector.load %arg5[%swap3A, %swap3A_35] : memref<1024x128xf32, #tpu.memory_space<vmem>>, vector<1024x128xf32>
    tpu.vector_store %arg5[%swap3A, %swap3A_35], %add3A_34 {strides = array<i32>} : memref<1024x128xf32, #tpu.memory_space<vmem>>, vector<1024x128xf32>,
    return
  }
  func.func @transform_0(%arg0: i32) -> (i32, i32) {
    %c0_i32 = arith.constant 0 : i32
    %c0_i32_0 = arith.constant 0 : i32
    return %arg0, %c0_i32 : i32, i32
  }
  func.func @transform_1(%arg0: i32) -> (i32, i32, i32) {
    %c0_i32 = arith.constant 0 : i32
    %c0_i32_0 = arith.constant 0 : i32
    %c0_i32_1 = arith.constant 0 : i32
    return %c0_i32, %arg0, %c0_i32_0 : i32, i32, i32
  }
  func.func @transform_2(%arg0: i32) -> (i32, i32) {
    %c0_i32 = arith.constant 0 : i32
    %c0_i32_0 = arith.constant 0 : i32
    %c0_i32_1 = arith.constant 0 : i32
    return %c0_i32, %c0_i32_0 : i32, i32
  }
  func.func @transform_3(%arg0: i32) -> (i32, i32) {
    %c1_i32 = arith.constant 1 : i32
    %c0_i32 = arith.constant 0 : i32
    %c0_i32_0 = arith.constant 0 : i32
    return %c1_i32, %c0_i32 : i32, i32
  }
  func.func @transform_4(%arg0: i32) -> (i32, i32) {
    %c0_i32 = arith.constant 0 : i32
    %c0_i32_0 = arith.constant 0 : i32
    return %arg0, %c0_i32 : i32, i32
  }
}

</mosaic_0001>

<sc_bundles>
// kernel: kernel.5.cloned.1.call-start
scs
__scs_entry_jumppad:
0x0: {  	(pc) =	sbr.rel $0x88, $3  }
0x1: {  	(tag) =	ssettag $0x0;
	lr =	simm.s32 $0x1  }
0x2: {  	[smem:$0x3F9D] =	sst lr;
	_ =	strace $0xD0000000  }
0x3: {  	_ = 	snop  }
0x4: {  	_ = 	snop  }
0x5: {  	_ = 	snop  }
0x6: {  	_ = 	snop  }
0x7: {  	_ = 	snop  }
__scs_overlays_trampoline_lowered:
0x8: {  	[smem:$0x3FAC] =	sst s0  }
0x9: {  	[smem:$0x3FAD] =	sst s1  }
0xa: {  	[smem:$0x3FAE] =	sst s2  }
0xb: {  	[smem:$0x3FAF] =	sst s3  }
0xc: {  	[smem:$0x3FB0] =	sst s4  }
0xd: {  	[smem:$0x3FB1] =	sst s5  }
0xe: {  	[smem:$0x3FB2] =	sst s6  }
0xf: {  	[smem:$0x3FB3] =	sst s7  }
0x10: {  	[smem:$0x3FB4] =	sst s8  }
0x11: {  	[smem:$0x3FB5] =	sst s9;
	s0 =	simm.s32 @!p0 $0x0  }
0x12: {  	s1 =	sld [smem:$0x3F9B];
	s0 =	simm.s32 @p0 $0x1  }
0x13: {  	[smem:$0x3FB6] =	sst s0;
	s0 =	simm.s32 @!p1 $0x0  }
0x14: {  	s2 =	sld [smem:$0x3F9A];
	s0 =	simm.s32 @p1 $0x1  }
0x15: {  	[smem:$0x3FB7] =	sst s0;
	s0 =	simm.s32 @!p2 $0x0  }
0x16: {  	s3 =	sld [smem:$0x3FDB];
	s0 =	simm.s32 @p2 $0x1  }
0x17: {  	s4 =	simm.s32 $0x1BF5;
	[smem:$0x3FB9] =	sst s0  }
0x18: {  	s0 =	sld [smem:$0x3F9C];
	_ =	swait.ge [sflag:s4], $0x0  }
0x19: {  	s7 =	sld [smem:$0x3F9D]  }
0x1a: {  	s8 =	sadd.s32 $0xFFFFE003, lr  }
0x1b: {  	s9 =	sadd.s32 $0xFFFFFEF7, lr;
	s5 =	simm.s32 $0xFFFFFFFF;
	p2 =	slt.u32 s8, $0xFFFFF086  }
0x1c: {  	p1 =	slt.u32 s9, $0xF7A;
	s5 =	simm.s32 @!p2 $0x0  }
0x1d: {  	s5 =	simm.s32 @p1 $0x1;
	p0 =	seq.s32 s7, s2  }
0x1e: {  	s7 =	smul.u32 @!p0 $0xF7A, s2;
	p2 =	seq.s32 @!p0 s5, $0x0  }
0x1f: {  	s9 =	smul.u32 $0xF7A, s1;
	s8 =	simm.s32 @!p0 $0x1BF5;
	p2 =	por !p2, p0  }
0x20: {  	[sflag:s8] =	ssyncset.s32 @!p0 $0xFFFFF086;
	s6 =	sadd.s32 @!p0 s3, s7;
	s7 =	simm.s32 @!p0 $0x108  }
0x21: {  	s3 =	sadd.s32 s3, s9;
	s6 =	sadd.s32 @!p0 $0x88, s6;
	s7 =	simm.s32 @p2 $0x1082  }
0x22: {  	[simem:s7], [sflag:s8] =	dma.local @!p0 [hbm:s6], $0xF7A  }
0x23: {  	s9 =	sor.u32 $0xD0000000, s2;
	s6 =	simm.s32 $0x108;
	_ =	swait.ge @!p0 [sflag:s8], $0x0  }
0x24: {  	s3 =	sadd.s32 $0x88, s3;
	s6 =	simm.s32 @!p1 $0x1082;
	[sflag:s4] =	ssyncset.s32 $0xFFFFF086  }
0x25: {  	[simem:s6], [sflag:s4] =	dma.local [hbm:s3], $0xF7A  }
0x26: {  	[smem:$0x3F9D] =	sst s1;
	(tag) =	ssettag s2;
	_ =	strace s9  }
0x27: {  	s1 =	sld [smem:$0x3FAD]  }
0x28: {  	s2 =	sld [smem:$0x3FAE]  }
0x29: {  	s4 =	sld [smem:$0x3FB0]  }
0x2a: {  	p0 =	seq.s32 s5, $0x0;
	s5 =	sld [smem:$0x3FB1]  }
0x2b: {  	s6 =	sld [smem:$0x3FB2]  }
0x2c: {  	s7 =	sld [smem:$0x3FB3]  }
0x2d: {  	s3 =	simm.s32 $0x108;
	s8 =	sld [smem:$0x3FB4]  }
0x2e: {  	s3 =	simm.s32 @!p0 $0x1082;
	s9 =	sld [smem:$0x3FB5]  }
0x2f: {  	lr =	sadd.s32 s0, s3;
	s0 =	sld [smem:$0x3FAC]  }
0x30: {  	s3 =	sld [smem:$0x3FAF]  }
0x31: {  	[smem:$0x3FB8] =	sst s10  }
0x32: {  	s10 =	sld [smem:$0x3FB6];
	_ =	sdelay $0x3  }
0x33: {  	p0 =	seq.s32 s10, $0x1;
	s10 =	sld [smem:$0x3FB8];
	_ =	sdelay $0x3  }
0x34: {  	[smem:$0x3FB8] =	sst s10  }
0x35: {  	s10 =	sld [smem:$0x3FB7];
	_ =	sdelay $0x3  }
0x36: {  	p1 =	seq.s32 s10, $0x1;
	s10 =	sld [smem:$0x3FB8];
	_ =	sdelay $0x3  }
0x37: {  	[smem:$0x3FB8] =	sst s10  }
0x38: {  	s10 =	sld [smem:$0x3FB9]  }
0x39: {  	_ = 	snop;
	(pc) =	sbr.ind lr, $3  }
0x3a: {  	_ = 	snop  }
0x3b: {  	_ = 	snop  }
0x3c: {  	p2 =	seq.s32 s10, $0x1;
	s10 =	sld [smem:$0x3FB8]  }
0x3d: {  	_ =	shalt  }
0x3e: {  	_ =	shalt  }
0x3f: {  	_ =	shalt  }
0x40: {  	_ =	shalt  }
0x41: {  	_ =	shalt  }
0x42: {  	_ =	shalt  }
0x43: {  	_ =	shalt  }
0x44: {  	_ =	shalt  }
0x45: {  	_ =	shalt  }
0x46: {  	_ =	shalt  }
0x47: {  	_ =	shalt  }
0x48: {  	_ =	shalt  }
0x49: {  	_ =	shalt  }
0x4a: {  	_ =	shalt  }
0x4b: {  	_ =	shalt  }
0x4c: {  	_ =	shalt  }
0x4d: {  	_ =	shalt  }
0x4e: {  	_ =	shalt  }
0x4f: {  	_ =	shalt  }
0x50: {  	_ =	shalt  }
0x51: {  	_ =	shalt  }
0x52: {  	_ =	shalt  }
0x53: {  	_ =	shalt  }
0x54: {  	_ =	shalt  }
0x55: {  	_ =	shalt  }
0x56: {  	_ =	shalt  }
0x57: {  	_ =	shalt  }
0x58: {  	_ =	shalt  }
0x59: {  	_ =	shalt  }
0x5a: {  	_ =	shalt  }
0x5b: {  	_ =	shalt  }
0x5c: {  	_ =	shalt  }
0x5d: {  	_ =	shalt  }
0x5e: {  	_ =	shalt  }
0x5f: {  	_ =	shalt  }
0x60: {  	_ =	shalt  }
0x61: {  	_ =	shalt  }
0x62: {  	_ =	shalt  }
0x63: {  	_ =	shalt  }
0x64: {  	_ =	shalt  }
0x65: {  	_ =	shalt  }
0x66: {  	_ =	shalt  }
0x67: {  	_ =	shalt  }
0x68: {  	_ =	shalt  }
0x69: {  	_ =	shalt  }
0x6a: {  	_ =	shalt  }
0x6b: {  	_ =	shalt  }
0x6c: {  	_ =	shalt  }
0x6d: {  	_ =	shalt  }
0x6e: {  	_ =	shalt  }
0x6f: {  	_ =	shalt  }
0x70: {  	_ =	shalt  }
0x71: {  	_ =	shalt  }
0x72: {  	_ =	shalt  }
0x73: {  	_ =	shalt  }
0x74: {  	_ =	shalt  }
0x75: {  	_ =	shalt  }
0x76: {  	_ =	shalt  }
0x77: {  	_ =	shalt  }
0x78: {  	_ =	shalt  }
0x79: {  	_ =	shalt  }
0x7a: {  	_ =	shalt  }
0x7b: {  	_ =	shalt  }
0x7c: {  	_ =	shalt  }
0x7d: {  	_ =	shalt  }
0x7e: {  	_ =	shalt  }
0x7f: {  	_ =	shalt  }
0x80: {  	_ =	shalt  }
0x81: {  	_ =	shalt  }
0x82: {  	_ =	shalt  }
0x83: {  	_ =	shalt  }
0x84: {  	_ =	shalt  }
0x85: {  	_ =	shalt  }
0x86: {  	_ =	shalt  }
0x87: {  	_ =	shalt  }
.Lfunc_end0:
.L_simem_size_0:
called_computation_lowered:
.L_overlay_start_0:
0x88: {  	s2 =	sld [smem:$0x3FD9]  }
0x89: {  	s3 =	sld [smem:$0x3FFE];
	_ =	sdelay $0x1  }
0x8a: {  	s1 =	srdreg.scid  }
0x8b: {  	s0 =	sand.u32 $0x1, s1  }
0x8c: {  	s17 =	sshll.u32 s0, $0xA;
	s2 =	sadd.s32 s3, s2  }
0x8d: {  	s2 =	sadd.s32 s2, s17  }
0x8e: {  	[smem:$0x3FC4] =	sst s2  }
0x8f: {  	_ = 	snop  }
0x90: {  	s2 =	sld [smem:$0x3FC8]  }
0x91: {  	s18 =	sld [smem:$0x3FC7]  }
0x92: {  	s4 =	sld [smem:$0x3FD0];
	(tm) =	ssettm $0x1  }
0x93: {  	s5 =	sld [smem:$0x3FFB];
	_ =	sdelay $0x3  }
0x94: {  	_ =	strace s5  }
0x95: {  	s5 =	sld [smem:$0x3FFC];
	_ =	sdelay $0x3  }
0x96: {  	_ =	strace s5  }
0x97: {  	s5 =	sld [smem:$0x3FFD];
	_ =	sdelay $0x3  }
0x98: {  	_ =	strace s5  }
0x99: {  	_ =	strace $0x8FFFFFFF  }
0x9a: {  	s19 =	sld [smem:$0x3FDB];
	_ =	sdelay $0x1  }
0x9b: {  	s6 =	simm.s32 $_scs_section_size  }
0x9c: {  	s7 =	simm.s32 $_size__tile_overlayer_lowered;
	s8 =	simm.s32 $_tile_overlayer_lowered  }
0x9d: {  	s22 =	simm.s32 $0x1BFF;
	s21 =	sshll.u32 s8, $0x1;
	s5 =	sadd.s32 s6, s19  }
0x9e: {  	s9 =	simm.s32 $0x0;
	s20 =	sshll.u32 s7, $0x1;
	s7 =	sadd.s32 s21, s5  }
0x9f: {  	[timem:s9], [sflag:s22] =	dma.local [hbm:s7], s20  }
0xa0: {  	_ =	swait.ge [sflag:s22], s20  }
0xa1: {  	s6 =	ssub.s32 $0x0, s20;
	[sflag:s22] =	ssyncset.done $0x0  }
0xa2: {  	[sflag:s22] =	ssyncadd.s32 s6;
	_ =	sdelay $0x1  }
0xa3: {  	s23 =	simm.s32 $0x1B8B  }
0xa4: {  	_ =	swait.ge [sflag:s23], $0x1  }
0xa5: {  	[sflag:s23] =	ssyncset.done $0x0  }
0xa6: {  	s25 =	simm.s32 $0x1B8E;
	s24 =	sld [smem:$0x3FFE];
	[sflag:s23] =	ssyncadd.s32 $0xFFFFFFFF  }
0xa7: {  	s26 =	simm.s32 $execute0_lowered;
	[smem:$0x3FD2] =	sst s25  }
0xa8: {  	s7 =	sshll.u32 s26, $0x1;
	_ =	strace $0x80000046;
	[dreg:$0x1] =	wrdreg $0xFFFFFFFF  }
0xa9: {  	s28 =	simm.s32 $_size_execute0_lowered;
	s5 =	sadd.s32 s5, s7;
	[dreg:$0x0] =	wrdreg $0x0  }
0xaa: {  	s7 =	sshll.u32 s28, $0x1;
	[dreg:$0x2] =	wrdreg s5  }
0xab: {  	[dreg:$0x3] =	wrdreg s7  }
0xac: {  	[dreg:$0x4] =	wrdreg $0xC0  }
0xad: {  	_ =	task [dreg:s9], $0x5FFFF  }
0xae: {  	[dreg:$0x1] =	wrdreg $0xFFFFFFFF  }
0xaf: {  	[dreg:$0x0] =	wrdreg $0x60  }
0xb0: {  	[dreg:$0x2] =	wrdreg s2  }
0xb1: {  	[dreg:$0x3] =	wrdreg s18  }
0xb2: {  	[dreg:$0x4] =	wrdreg s24  }
0xb3: {  	[dreg:$0x5] =	wrdreg s4  }
0xb4: {  	[dreg:$0x6] =	wrdreg $0x7D000  }
0xb5: {  	[dreg:$0x7] =	wrdreg $0x1BD000  }
0xb6: {  	[dreg:$0x8] =	wrdreg $0x9  }
0xb7: {  	_ =	task.clear_ibuf [dreg:s9], $0x9FFFF;
	_ =	strace $0x90000046  }
0xb8: {  	s29 =	simm.s32 $0x9;
	_ =	strace $0x80000048  }
0xb9: {  	_ =	swait.ge [sflag:s29], $0x1  }
0xba: {  	[sflag:s29] =	ssyncadd.s32 $0xFFFFFFFF  }
0xbb: {  	_ =	strace $0x90000048  }
0xbc: {  	_ =	sfence  }
0xbd: {  	s30 =	sld [smem:$0x0];
	_ =	sdelay $0x2  }
0xbe: {  	s31 =	sshll.u32 s1, $0xD;
	s1 =	sshrl.u32 s1, $0x2  }
0xbf: {  	s3 =	sand.u32 $0x4000, s31;
	s1 =	sadd.s32 s1, s30  }
0xc0: {  	s0 =	sor.u32 s3, s0;
	s1 =	sshll.u32 s1, $0x11  }
0xc1: {  	s0 =	sor.u32 s1, s0  }
0xc2: {  	s0 =	sadd.s32 $0x8F2B, s0  }
0xc3: {  	[sflag:s0] =	ssyncadd.remote.s32 $0x1  }
0xc4: {  	_ =	sfence.sel $0xFFFF  }
0xc5: {  	[dreg:$0x0] =	wrdreg $0xFFFFFFFF;
	(pc) =	sbr.abs _section_cstart, $3  }
0xc6: {  	[dreg:$0x1] =	wrdreg $0xFFFFFFFF  }
0xc7: {  	_ =	task.clear_ibuf [dreg:s9], $0x2FFFF;
	_ =	strace $0x9FFFFFFF  }
0xc8: {  	(tm) =	ssettm $0x7FFFFFFF  }
0xc9: {  	_ =	shalt  }
tec
execute0_lowered:
.L_overlay_start_1:
0x0: {  	(tag) =	ssettag $0x1  }
0x1: {  	s0 =	rddreg [dreg:$0x0]  }
0x2: {  	s1 =	rddreg [dreg:$0x1];
	s17 =	stileid.u32  }
0x3: {  	s6 =	rddreg [dreg:$0x2];
	s9 =	smul.u32 $0x14000, s17  }
0x4: {  	s7 =	rddreg [dreg:$0x3];
	s10 =	smul.u32 $0x50000, s17  }
0x5: {  	s2 =	rddreg [dreg:$0x4];
	s28 =	smul.u32 $0xA00, s17  }
0x6: {  	s4 =	srdreg.scid;
	s20 =	smul.u32 $0x500, s17  }
0x7: {  	s3 =	rddreg [dreg:$0x5];
	s8 =	sand.u32 $0x1, s4;
	s24 =	smul.u32 $0x27100, s17  }
0x8: {  	s30 =	simm.s32 $0x1;
	s4 =	simm.s32 $0x0;
	s5 =	smul.u32 $0x140000, s8  }
0x9: {  	[smem:$0x7FF] =	sst s4;
	s11 =	ssub.s32 $0x2, s8;
	s12 =	smul.u32 $0x7D0, s8  }
0xa: {  	s22 =	sshll.u32 s8, $0x7;
	_ =	strace $0x80000047;
	s9 =	sadd.s32 s9, s5  }
0xb: {  	s13 =	sshrl.u32 s11, $0x1;
	s26 =	sshrl.u32 s10, $0x2;
	s9 =	sshrl.u32 s9, $0x3  }
0xc: {  	s5 =	smul.u32 $0x7D, s17;
	s9 =	sadd.s32 s9, s6;
	s6 =	sadd.s32 s26, s2  }
0xd: {  	s10 =	sshrl.u32 s28, $0x2;
	s11 =	ssub.s32 s11, s13;
	s29 =	sadd.s32 $0x2800, s6  }
0xe: {  	s12 =	sadd.s32 s5, s12;
	s14 =	sadd.s32 $0x5000, s6;
	[dreg:$0x8] =	wrdreg s29  }
0xf: {  	s26 =	smul.u32 $0x4E2, s17;
	s15 =	sadd.s32 $0x7800, s6;
	[dreg:$0x9] =	wrdreg s14  }
0x10: {  	s31 =	smul.u32 $0xA, s12;
	s18 =	sadd.s32 $0xC800, s6;
	[dreg:$0xa] =	wrdreg s15  }
0x11: {  	s16 =	smul.u32 $0x500, s12;
	s19 =	sadd.s32 $0xF000, s6;
	[dreg:$0xc] =	wrdreg s18  }
0x12: {  	s12 =	smul.u32 $0x50, s12;
	s28 =	sadd.s32 $0x11800, s6;
	[dreg:$0xd] =	wrdreg s19  }
0x13: {  	s15 =	sadd.s32 $0xA000, s6;
	s18 =	smul.u32 $0x271000, s8;
	[dreg:$0x13] =	wrdreg s28  }
0x14: {  	s8 =	smul.u32 $0x4E20, s8;
	s29 =	sadd.s32 $0x1000, s9;
	[dreg:$0xb] =	wrdreg s15  }
0x15: {  	s19 =	sadd.s32 s10, s3;
	s13 =	sadd.s32 s1, s31;
	[dreg:$0x14] =	wrdreg s29  }
0x16: {  	s21 =	sadd.s32 s0, s16;
	s12 =	sadd.s32 $0x50, s12;
	[dreg:$0xe] =	wrdreg s13  }
0x17: {  	s16 =	ssub.s32 $0x7D0, s5;
	s31 =	smax.u32 s11, $0x1;
	[dreg:$0xf] =	wrdreg s21  }
0x18: {  	s13 =	sor.u32 s22, s20;
	[dreg:$0x7] =	wrdreg s16;
	s23 =	sshrl.u32 s12, $0x3  }
0x19: {  	s12 =	sshll.u32 s12, $0x4;
	[dreg:$0x15] =	wrdreg s31;
	s13 =	sshrl.u32 s13, $0x3  }
0x1a: {  	s25 =	sadd.s32 s1, s23;
	s12 =	sadd.s32 s0, s12;
	s0 =	sadd.s32 s18, s0  }
0x1b: {  	s1 =	sadd.s32 s8, s1;
	s7 =	sadd.s32 s7, s13;
	[dreg:$0x11] =	wrdreg s25  }
0x1c: {  	[dreg:$0x12] =	wrdreg s12;
	s0 =	sadd.s32 s24, s0;
	s1 =	sadd.s32 s26, s1  }
0x1d: {  	s24 =	simm.s32 $0x200;
	s25 =	simm.s32 $0x7;
	s26 =	simm.s32 $0x2  }
0x1e: {  	v0 =	vimm.f32 $0.0e+00;
	v1 =	vimm.f32 $1.000000000e+00;
	[dreg:$0x10] =	wrdreg s7;
	s10 =	sadd.s32 $0x1400, s0;
	s23 =	sadd.s32 $0x28, s1  }
.LBB2_1:
0x1f: {  	s0 =	simm.s32 $0x0;
	s1 =	simm.s32 $0x200  }
.LBB2_2:
0x20: {  	p0 =	sne.s32 s1, $0x9E00;
	[tilespmem:s0+$0x270] =	vst v0  }
0x21: {  	[tilespmem:s0+$0x200] =	vst v0  }
0x22: {  	[tilespmem:s0+$0x210] =	vst v0  }
.Ltmp0:
0x23: {  	[tilespmem:s0+$0x220] =	vst v0;
	(pc) =	sbr.rel @p0 .LBB2_2-.Ltmp0, $4  }
0x24: {  	[tilespmem:s0+$0x230] =	vst v0  }
0x25: {  	[tilespmem:s0+$0x240] =	vst v0  }
0x26: {  	[tilespmem:s0+$0x250] =	vst v0  }
0x27: {  	[tilespmem:s0+$0x260] =	vst v0;
	s0 =	sshra.s32 s1, $0x2;
	s1 =	sadd.s32 $0x200, s1  }
0x28: {  	[tilespmem:s0+$0x270] =	vst v0  }
0x29: {  	[tilespmem:s0+$0x200] =	vst v0  }
0x2a: {  	[tilespmem:s0+$0x210] =	vst v0  }
0x2b: {  	[tilespmem:s0+$0x220] =	vst v0  }
0x2c: {  	[tilespmem:s0+$0x230] =	vst v0  }
0x2d: {  	[tilespmem:s0+$0x240] =	vst v0  }
0x2e: {  	[tilespmem:s0+$0x250] =	vst v0  }
0x2f: {  	[tilespmem:s0+$0x260] =	vst v0  }
0x30: {  	[tilespmem:$0x7A00] =	vst v0  }
0x31: {  	[tilespmem:$0x7A10] =	vst v0  }
0x32: {  	[tilespmem:$0x7A20] =	vst v0  }
0x33: {  	[tilespmem:$0x7A30] =	vst v0  }
0x34: {  	[tilespmem:$0x7A40] =	vst v0  }
0x35: {  	[tilespmem:$0x7A50] =	vst v0  }
0x36: {  	[tilespmem:$0x7A60] =	vst v0  }
0x37: {  	[tilespmem:$0x7A70] =	vst v0  }
0x38: {  	[tilespmem:$0x7A80] =	vst v0  }
0x39: {  	[tilespmem:$0x7A90] =	vst v0  }
0x3a: {  	[tilespmem:$0x7AA0] =	vst v0  }
0x3b: {  	[tilespmem:$0x7AB0] =	vst v0  }
0x3c: {  	[tilespmem:$0x7AC0] =	vst v0  }
0x3d: {  	[tilespmem:$0x7AD0] =	vst v0  }
0x3e: {  	[tilespmem:$0x7AE0] =	vst v0  }
0x3f: {  	[tilespmem:$0x7AF0] =	vst v0  }
0x40: {  	[tilespmem:$0x7B00] =	vst v0  }
0x41: {  	[tilespmem:$0x7B10] =	vst v0  }
0x42: {  	[tilespmem:$0x7B20] =	vst v0  }
0x43: {  	[tilespmem:$0x7B30] =	vst v0  }
0x44: {  	[tilespmem:$0x7B40] =	vst v0  }
0x45: {  	[tilespmem:$0x7B50] =	vst v0  }
0x46: {  	[tilespmem:$0x7B60] =	vst v0  }
0x47: {  	[tilespmem:$0x7B70] =	vst v0  }
0x48: {  	[tilespmem:$0x7B80] =	vst v0  }
0x49: {  	[tilespmem:$0x7B90] =	vst v0  }
0x4a: {  	[tilespmem:$0x7BA0] =	vst v0  }
0x4b: {  	[tilespmem:$0x7BB0] =	vst v0  }
0x4c: {  	[tilespmem:$0x7BC0] =	vst v0  }
0x4d: {  	[tilespmem:$0x7BD0] =	vst v0  }
0x4e: {  	[tilespmem:$0x7BE0] =	vst v0  }
0x4f: {  	[tilespmem:$0x7BF0] =	vst v0  }
0x50: {  	[tilespmem:$0x7C00] =	vst v0  }
0x51: {  	[tilespmem:$0x7C10] =	vst v0  }
0x52: {  	[tilespmem:$0x7C20] =	vst v0  }
0x53: {  	[tilespmem:$0x7C30] =	vst v0  }
0x54: {  	[tilespmem:$0x7C40] =	vst v0  }
0x55: {  	[tilespmem:$0x7C50] =	vst v0  }
0x56: {  	[tilespmem:$0x7C60] =	vst v0  }
0x57: {  	[tilespmem:$0x7C70] =	vst v0  }
0x58: {  	[tilespmem:$0x7C80] =	vst v1  }
0x59: {  	[tilespmem:$0x7C90] =	vst v1  }
0x5a: {  	[tilespmem:$0x7CA0] =	vst v1  }
0x5b: {  	[tilespmem:$0x7CB0] =	vst v1  }
0x5c: {  	[tilespmem:$0x7CC0] =	vst v1  }
0x5d: {  	[spmem:s6] =	stream.linear.scatter [tilespmem:s24], [sflag:$0x7], $0x2800, $0x38;
	[tilespmem:$0x1BF80] =	vst v63  }
0x5e: {  	_ =	swait.ge [sflag:s25], $0x2800  }
0x5f: {  	[sflag:s25] =	ssyncset.done $0x0  }
0x60: {  	s20 =	rddreg [dreg:$0x8];
	[sflag:s25] =	ssyncadd.s32 $0xFFFFD800  }
0x61: {  	[spmem:s20] =	stream.linear.scatter [tilespmem:s24], [sflag:$0x7], $0x2800, $0x38;
	[tilespmem:$0x1BF80] =	vst v63  }
0x62: {  	_ =	swait.ge [sflag:s25], $0x2800  }
0x63: {  	[sflag:s25] =	ssyncset.done $0x0  }
0x64: {  	s21 =	rddreg [dreg:$0x9];
	[sflag:s25] =	ssyncadd.s32 $0xFFFFD800  }
0x65: {  	[spmem:s21] =	stream.linear.scatter [tilespmem:s24], [sflag:$0x7], $0x2800, $0x38;
	[tilespmem:$0x1BF80] =	vst v63  }
0x66: {  	_ =	swait.ge [sflag:s25], $0x2800  }
0x67: {  	[sflag:s25] =	ssyncset.done $0x0  }
0x68: {  	s22 =	rddreg [dreg:$0xa];
	[sflag:s25] =	ssyncadd.s32 $0xFFFFD800  }
0x69: {  	[spmem:s22] =	stream.linear.scatter [tilespmem:s24], [sflag:$0x7], $0x2800, $0x38;
	[tilespmem:$0x1BF80] =	vst v63  }
0x6a: {  	_ =	swait.ge [sflag:s25], $0x2800  }
0x6b: {  	[sflag:s25] =	ssyncset.done $0x0  }
0x6c: {  	s1 =	rddreg [dreg:$0xb];
	[sflag:s25] =	ssyncadd.s32 $0xFFFFD800  }
0x6d: {  	[spmem:s1] =	stream.linear.scatter [tilespmem:s24], [sflag:$0x7], $0x2800, $0x38;
	[tilespmem:$0x1BF80] =	vst v63  }
0x6e: {  	_ =	swait.ge [sflag:s25], $0x2800  }
0x6f: {  	[sflag:s25] =	ssyncset.done $0x0  }
0x70: {  	s7 =	rddreg [dreg:$0xc];
	[sflag:s25] =	ssyncadd.s32 $0xFFFFD800  }
0x71: {  	[spmem:s7] =	stream.linear.scatter [tilespmem:s24], [sflag:$0x7], $0x2800, $0x38;
	[tilespmem:$0x1BF80] =	vst v63  }
0x72: {  	_ =	swait.ge [sflag:s25], $0x2800  }
0x73: {  	[sflag:s25] =	ssyncset.done $0x0  }
0x74: {  	s8 =	rddreg [dreg:$0xd];
	[sflag:s25] =	ssyncadd.s32 $0xFFFFD800  }
0x75: {  	[spmem:s8] =	stream.linear.scatter [tilespmem:s24], [sflag:$0x7], $0x2800, $0x38;
	[tilespmem:$0x1BF80] =	vst v63  }
0x76: {  	_ =	swait.ge [sflag:s25], $0x2800  }
0x77: {  	[sflag:s25] =	ssyncset.done $0x0  }
0x78: {  	s9 =	rddreg [dreg:$0x13];
	[sflag:s25] =	ssyncadd.s32 $0xFFFFD800  }
0x79: {  	[spmem:s9] =	stream.linear.scatter [tilespmem:s24], [sflag:$0x7], $0x2800, $0x38;
	[tilespmem:$0x1BF80] =	vst v63  }
0x7a: {  	_ =	swait.ge [sflag:s25], $0x2800  }
0x7b: {  	[sflag:s25] =	ssyncset.done $0x0  }
0x7c: {  	s11 =	simm.s32 $0x7A00;
	[sflag:s25] =	ssyncadd.s32 $0xFFFFD800  }
0x7d: {  	[spmem:s19] =	stream.linear.scatter [tilespmem:s11], [sflag:$0x7], $0x280, $0x38;
	[tilespmem:$0x1BF80] =	vst v63  }
0x7e: {  	_ =	swait.ge [sflag:s25], $0x280  }
0x7f: {  	[sflag:s25] =	ssyncset.done $0x0  }
0x80: {  	[sflag:s25] =	ssyncadd.s32 $0xFFFFFD80  }
0x81: {  	s12 =	simm.s32 $0x0;
	s17 =	sadd.s32 $0x0, s5;
	[bflag:$0x0] =	sbarrier.arrive $0xFFFF  }
0x82: {  	p1 =	por $0x1, $0x1;
	p0 =	slt.u32 s17, $0x7D0;
	s1 =	rddreg [dreg:$0xe]  }
0x83: {  	[tilespmem:s12], [sflag:$0x1] =	stream.linear.gather [hbm4b:s1+s12], $0x50, $0x38;
	[tilespmem:$0x1BF80] =	vst v63  }
0x84: {  	p0 =	por !p1, !p0;
	s13 =	rddreg [dreg:$0xf]  }
0x85: {  	[tilespmem:s24], [sflag:$0x1] =	stream.linear.gather [hbm4b:s13+s12], $0x2800, $0x38;
	[tilespmem:$0x1BF80] =	vst v63  }
0x86: {  	p0 =	por !p0, !p0;
	s7 =	simm.s32 $0x80;
	s14 =	rddreg [dreg:$0x11]  }
0x87: {  	[tilespmem:s7], [sflag:$0x2] =	stream.linear.gather [hbm4b:s14+s12], $0x50, $0x38;
	[tilespmem:$0x1BF80] =	vst v63  }
0x88: {  	s16 =	simm.s32 $0x2A00;
	s15 =	rddreg [dreg:$0x12];
	s1 =	simm.s32 @p0 $0x1  }
0x89: {  	[tilespmem:s16], [sflag:$0x2] =	stream.linear.gather [hbm4b:s15+s12], $0x2800, $0x38;
	[tilespmem:$0x1BF80] =	vst v63  }
0x8a: {  	_ =	swait.ge @p0 [sflag:s1], $0x50  }
0x8b: {  	[sflag:s1] =	ssyncset.done @p0 $0x0  }
0x8c: {  	[sflag:s1] =	ssyncadd.s32 @p0 $0xFFFFFFB0  }
0x8d: {  	p2 =	por $0x1, $0x1;
	s9 =	simm.s32 @p0 $0x0;
	_ =	swait.ge @p0 [sflag:s1], $0x2800  }
0x8e: {  	s7 =	simm.s32 @p0 $0x200;
	[sflag:s1] =	ssyncset.done @p0 $0x0;
	s8 =	rddreg [dreg:$0x7]  }
0x8f: {  	[sflag:s1] =	ssyncadd.s32 @p0 $0xFFFFD800;
	s1 =	simm.s32 @p0 $0x50;
	p3 =	slt.u32 @!p2 s8, $0x0  }
0x90: {  	[spmem:s2] =	stream.indirect.scatter.add.f32 @p0 [tilespmem:s7], [sflag:$0x4], $0x80, s9, s1, $0xb8;
	[tilespmem:$0x1BF80] =	vst v63  }
0x91: {  	s7 =	simm.s32 @p0 $0x7C80;
	p3 =	por p3, p2  }
0x92: {  	[spmem:s3] =	stream.indirect.scatter.add.f32 @p0 [tilespmem:s7], [sflag:$0x4], $0x1, s9, s1, $0xb8;
	[tilespmem:$0x1BF80] =	vst v63  }
0x93: {  	s1 =	simm.s32 @!p3 $0x6  }
0x94: {  	p5 =	por $0x1, $0x1;
	s18 =	sadd.s32 $0x2, s17;
	_ =	swait.ge @!p3 [sflag:s1], $0x2800  }
0x95: {  	p4 =	slt.u32 s18, $0x7D0;
	s20 =	sadd.s32 $0x1, s17;
	[sflag:s1] =	ssyncset.done @!p3 $0x0  }
0x96: {  	p6 =	slt.u32 s20, $0x7D0;
	p2 =	por !p5, !p4;
	[sflag:s1] =	ssyncadd.s32 @!p3 $0xFFFFD800  }
0x97: {  	p1 =	por !p1, !p6;
	p2 =	por !p2, !p2;
	_ =	swait.ge @!p3 [sflag:s1], $0x50  }
0x98: {  	p1 =	por !p1, !p1;
	s7 =	sadd.s32 @p2 $0xFFFFFFEC, s23;
	[sflag:s1] =	ssyncset.done @!p3 $0x0  }
0x99: {  	s8 =	simm.s32 @p2 $0x0;
	s11 =	simm.s32 @p2 $0x100;
	[sflag:s1] =	ssyncadd.s32 @!p3 $0xFFFFFFB0  }
0x9a: {  	[tilespmem:s11], [sflag:$0x3] =	stream.linear.gather @p2 [hbm4b:s7+s8], $0x50, $0x38;
	[tilespmem:$0x1BF80] =	vst v63  }
0x9b: {  	s12 =	simm.s32 @p2 $0x5200;
	s1 =	sadd.s32 @p2 $0xFFFFF600, s10;
	s7 =	simm.s32 @p1 $0x2  }
0x9c: {  	[tilespmem:s12], [sflag:$0x3] =	stream.linear.gather @p2 [hbm4b:s1+s8], $0x2800, $0x38;
	[tilespmem:$0x1BF80] =	vst v63  }
0x9d: {  	_ =	swait.ge @p1 [sflag:s7], $0x50  }
0x9e: {  	[sflag:s7] =	ssyncset.done @p1 $0x0  }
0x9f: {  	[sflag:s7] =	ssyncadd.s32 @p1 $0xFFFFFFB0  }
0xa0: {  	_ =	swait.ge @p1 [sflag:s7], $0x2800  }
0xa1: {  	s9 =	simm.s32 @p1 $0x80;
	[sflag:s7] =	ssyncset.done @p1 $0x0  }
0xa2: {  	s1 =	simm.s32 @p1 $0x50;
	s8 =	simm.s32 @p1 $0x2A00;
	[sflag:s7] =	ssyncadd.s32 @p1 $0xFFFFD800  }
0xa3: {  	[spmem:s2] =	stream.indirect.scatter.add.f32 @p1 [tilespmem:s8], [sflag:$0x5], $0x80, s9, s1, $0xb8;
	[tilespmem:$0x1BF80] =	vst v63  }
0xa4: {  	s13 =	simm.s32 @p0 $0x4;
	s7 =	simm.s32 @p1 $0x7C80  }
0xa5: {  	[spmem:s3] =	stream.indirect.scatter.add.f32 @p1 [tilespmem:s7], [sflag:$0x5], $0x1, s9, s1, $0xb8;
	[tilespmem:$0x1BF80] =	vst v63  }
0xa6: {  	_ =	swait.ge @p0 [sflag:s13], $0x2800  }
0xa7: {  	[sflag:s13] =	ssyncset.done @p0 $0x0  }
0xa8: {  	p3 =	por $0x0, $0x0;
	s1 =	sadd.s32 $0x3, s17;
	[sflag:s13] =	ssyncadd.s32 @p0 $0xFFFFD800  }
0xa9: {  	p4 =	sgt.u32 @!p3 s1, $0x7CF;
	_ =	swait.ge @p0 [sflag:s13], $0x50  }
0xaa: {  	p4 =	por p4, p3;
	[sflag:s13] =	ssyncset.done @p0 $0x0  }
0xab: {  	s1 =	sadd.s32 @!p4 $0xFFFFFFF6, s23;
	s7 =	simm.s32 @!p4 $0x0;
	[sflag:s13] =	ssyncadd.s32 @p0 $0xFFFFFFB0  }
0xac: {  	[tilespmem:s7], [sflag:$0x1] =	stream.linear.gather @!p4 [hbm4b:s1+s7], $0x50, $0x38;
	[tilespmem:$0x1BF80] =	vst v63  }
0xad: {  	s9 =	simm.s32 @!p4 $0x200;
	s13 =	simm.s32 @p2 $0x3;
	s1 =	sadd.s32 @!p4 $0xFFFFFB00, s10  }
0xae: {  	[tilespmem:s9], [sflag:$0x1] =	stream.linear.gather @!p4 [hbm4b:s1+s7], $0x2800, $0x38;
	[tilespmem:$0x1BF80] =	vst v63  }
0xaf: {  	_ =	swait.ge @p2 [sflag:s13], $0x50  }
0xb0: {  	[sflag:s13] =	ssyncset.done @p2 $0x0  }
0xb1: {  	s29 =	sadd.s32 $0x3, s5;
	[sflag:s13] =	ssyncadd.s32 @p2 $0xFFFFFFB0  }
0xb2: {  	s21 =	sadd.s32 $0x2, s29;
	_ =	swait.ge @p2 [sflag:s13], $0x2800  }
0xb3: {  	s0 =	sadd.s32 $0x4, s17;
	p6 =	slt.u32 s21, $0x7D0;
	[sflag:s13] =	ssyncset.done @p2 $0x0  }
0xb4: {  	p5 =	por $0x1, $0x1;
	s22 =	simm.s32 @p2 $0x50;
	[sflag:s13] =	ssyncadd.s32 @p2 $0xFFFFD800  }
0xb5: {  	[spmem:s2] =	stream.indirect.scatter.add.f32 @p2 [tilespmem:s12], [sflag:$0x6], $0x80, s11, s22, $0xb8;
	[tilespmem:$0x1BF80] =	vst v63  }
0xb6: {  	s28 =	simm.s32 @p2 $0x7C80;
	p4 =	sgt.u32 @!p3 s0, $0x7CF;
	s13 =	simm.s32 @p1 $0x5  }
0xb7: {  	[spmem:s3] =	stream.indirect.scatter.add.f32 @p2 [tilespmem:s28], [sflag:$0x6], $0x1, s11, s22, $0xb8;
	[tilespmem:$0x1BF80] =	vst v63  }
0xb8: {  	p0 =	slt.u32 s29, $0x7D0;
	p4 =	por p4, p3;
	_ =	swait.ge @p1 [sflag:s13], $0x2800  }
0xb9: {  	p3 =	por $0x1, $0x1;
	s12 =	simm.s32 @!p4 $0x0;
	[sflag:s13] =	ssyncset.done @p1 $0x0  }
0xba: {  	s22 =	sadd.s32 $0x1, s29;
	p2 =	por !p3, !p0;
	[sflag:s13] =	ssyncadd.s32 @p1 $0xFFFFD800  }
0xbb: {  	p0 =	por !p5, !p6;
	p6 =	por $0x0, $0x0;
	_ =	swait.ge @p1 [sflag:s13], $0x50  }
0xbc: {  	s11 =	sadd.s32 $0x3, s29;
	p5 =	slt.u32 s22, $0x7D0;
	[sflag:s13] =	ssyncset.done @p1 $0x0  }
0xbd: {  	s22 =	simm.s32 @!p4 $0x80;
	[sflag:s13] =	ssyncadd.s32 @p1 $0xFFFFFFB0;
	p1 =	sgt.u32 @!p6 s11, $0x7CF  }
0xbe: {  	[tilespmem:s22], [sflag:$0x2] =	stream.linear.gather @!p4 [hbm4b:s23+s12], $0x50, $0x38;
	[tilespmem:$0x1BF80] =	vst v63  }
0xbf: {  	s31 =	simm.s32 $0x6;
	s11 =	simm.s32 @!p1 $0x0  }
0xc0: {  	s8 =	simm.s32 $0x3;
	s1 =	sadd.s32 $0xF00, s10;
	s11 =	simm.s32 @p1 $0x1  }
0xc1: {  	s7 =	sadd.s32 $0x1E, s23;
	[smem:$0x7FC] =	sst s11;
	s11 =	sadd.s32 $0x4, s29  }
0xc2: {  	s9 =	simm.s32 $0x9;
	s0 =	simm.s32 $0x1;
	p1 =	sgt.u32 @!p6 s11, $0x7CF  }
0xc3: {  	s28 =	sadd.s32 $0xF00, s1;
	p2 =	por !p2, !p2;
	s11 =	simm.s32 @!p1 $0x0  }
0xc4: {  	p5 =	por !p3, !p5;
	s13 =	simm.s32 @!p4 $0x2A00;
	s11 =	simm.s32 @p1 $0x1  }
0xc5: {  	s22 =	smov.u32 s10;
	s29 =	sadd.s32 $0x1E, s7;
	[smem:$0x7FD] =	sst s11  }
.LBB2_4:
0xc6: {  	s15 =	smov.u32 s9;
	s9 =	sadd.s32 $0x3, s9  }
0xc7: {  	[tilespmem:s13], [sflag:$0x2] =	stream.linear.gather @!p4 [hbm4b:s22+s12], $0x2800, $0x38;
	[tilespmem:$0x1BF80] =	vst v63  }
0xc8: {  	p1 =	sne.s32 s9, $0x81  }
0xc9: {  	s12 =	simm.s32 @!p1 $0x0  }
0xca: {  	s12 =	simm.s32 @p1 $0x1  }
0xcb: {  	s14 =	simm.s32 @p2 $0x1;
	[smem:$0x7FB] =	sst s12  }
0xcc: {  	_ =	swait.ge @p2 [sflag:s14], $0x50  }
0xcd: {  	[sflag:s14] =	ssyncset.done @p2 $0x0  }
0xce: {  	s20 =	sadd.s32 $0xFFFFFFFF, s8;
	[sflag:s14] =	ssyncadd.s32 @p2 $0xFFFFFFB0  }
0xcf: {  	s16 =	simm.s32 @p2 $0x0;
	p1 =	sgt.u32 s20, $0x7C;
	_ =	swait.ge @p2 [sflag:s14], $0x2800  }
0xd0: {  	s12 =	simm.s32 @p2 $0x200;
	[sflag:s14] =	ssyncset.done @p2 $0x0;
	s13 =	rddreg [dreg:$0x7]  }
0xd1: {  	[sflag:s14] =	ssyncadd.s32 @p2 $0xFFFFD800;
	s14 =	simm.s32 @p2 $0x50;
	p3 =	sgt.u32 @!p1 s8, s13  }
0xd2: {  	[spmem:s2] =	stream.indirect.scatter.add.f32 @p2 [tilespmem:s12], [sflag:$0x4], $0x80, s16, s14, $0xb8;
	[tilespmem:$0x1BF80] =	vst v63  }
0xd3: {  	s12 =	simm.s32 @p2 $0x7C80;
	p3 =	por p3, p1  }
0xd4: {  	[spmem:s3] =	stream.indirect.scatter.add.f32 @p2 [tilespmem:s12], [sflag:$0x4], $0x1, s16, s14, $0xb8;
	[tilespmem:$0x1BF80] =	vst v63  }
0xd5: {  	s14 =	simm.s32 @!p3 $0x6  }
0xd6: {  	_ =	swait.ge @!p3 [sflag:s14], $0x2800  }
0xd7: {  	s11 =	smov.u32 s7;
	[sflag:s14] =	ssyncset.done @!p3 $0x0  }
0xd8: {  	s22 =	smov.u32 s1;
	s8 =	smov.u32 s31;
	[sflag:s14] =	ssyncadd.s32 @!p3 $0xFFFFD800  }
0xd9: {  	s31 =	smov.u32 s15;
	p1 =	por !p0, !p0;
	_ =	swait.ge @!p3 [sflag:s14], $0x50  }
0xda: {  	s15 =	sadd.s32 @p1 $0xFFFFFFEC, s11;
	s16 =	simm.s32 @p1 $0x0;
	[sflag:s14] =	ssyncset.done @!p3 $0x0  }
0xdb: {  	s12 =	simm.s32 @p1 $0x100;
	[sflag:s14] =	ssyncadd.s32 @!p3 $0xFFFFFFB0;
	p3 =	por !p5, !p5  }
0xdc: {  	[tilespmem:s12], [sflag:$0x3] =	stream.linear.gather @p1 [hbm4b:s15+s16], $0x50, $0x38;
	[tilespmem:$0x1BF80] =	vst v63  }
0xdd: {  	s17 =	sadd.s32 @p1 $0xFFFFF600, s22;
	s13 =	simm.s32 @p1 $0x5200;
	s14 =	simm.s32 @p3 $0x2  }
0xde: {  	[tilespmem:s13], [sflag:$0x3] =	stream.linear.gather @p1 [hbm4b:s17+s16], $0x2800, $0x38;
	[tilespmem:$0x1BF80] =	vst v63  }
0xdf: {  	_ =	swait.ge @p3 [sflag:s14], $0x50  }
0xe0: {  	[sflag:s14] =	ssyncset.done @p3 $0x0  }
0xe1: {  	[sflag:s14] =	ssyncadd.s32 @p3 $0xFFFFFFB0  }
0xe2: {  	_ =	swait.ge @p3 [sflag:s14], $0x2800  }
0xe3: {  	s15 =	simm.s32 @p3 $0x50;
	[sflag:s14] =	ssyncset.done @p3 $0x0  }
0xe4: {  	s16 =	simm.s32 @p3 $0x2A00;
	s17 =	simm.s32 @p3 $0x80;
	[sflag:s14] =	ssyncadd.s32 @p3 $0xFFFFD800  }
0xe5: {  	[spmem:s2] =	stream.indirect.scatter.add.f32 @p3 [tilespmem:s16], [sflag:$0x5], $0x80, s17, s15, $0xb8;
	[tilespmem:$0x1BF80] =	vst v63  }
0xe6: {  	s18 =	sld [smem:$0x7FC];
	s14 =	simm.s32 @p3 $0x7C80;
	s16 =	simm.s32 @p2 $0x4  }
0xe7: {  	[spmem:s3] =	stream.indirect.scatter.add.f32 @p3 [tilespmem:s14], [sflag:$0x5], $0x1, s17, s15, $0xb8;
	[tilespmem:$0x1BF80] =	vst v63  }
0xe8: {  	_ =	swait.ge @p2 [sflag:s16], $0x2800  }
0xe9: {  	[sflag:s16] =	ssyncset.done @p2 $0x0  }
0xea: {  	p5 =	seq.s32 s18, $0x1;
	[sflag:s16] =	ssyncadd.s32 @p2 $0xFFFFD800  }
0xeb: {  	s0 =	sadd.s32 $0x1, s0;
	p5 =	por p5, p6;
	_ =	swait.ge @p2 [sflag:s16], $0x50  }
0xec: {  	p0 =	sgt.u32 s0, $0x28;
	s14 =	sadd.s32 @!p5 $0xFFFFFFF6, s11;
	[sflag:s16] =	ssyncset.done @p2 $0x0  }
0xed: {  	s15 =	simm.s32 @!p5 $0x0;
	[sflag:s16] =	ssyncadd.s32 @p2 $0xFFFFFFB0;
	s16 =	simm.s32 @!p0 $0x0  }
0xee: {  	[tilespmem:s15], [sflag:$0x1] =	stream.linear.gather @!p5 [hbm4b:s14+s15], $0x50, $0x38;
	[tilespmem:$0x1BF80] =	vst v63  }
0xef: {  	s17 =	sadd.s32 @!p5 $0xFFFFFB00, s22;
	s16 =	simm.s32 @p0 $0x1  }
0xf0: {  	s18 =	simm.s32 @!p5 $0x200;
	s14 =	simm.s32 @p1 $0x3;
	[smem:$0x7FA] =	sst s16  }
0xf1: {  	[tilespmem:s18], [sflag:$0x1] =	stream.linear.gather @!p5 [hbm4b:s17+s15], $0x2800, $0x38;
	[tilespmem:$0x1BF80] =	vst v63  }
0xf2: {  	s21 =	sld [smem:$0x7FD];
	_ =	swait.ge @p1 [sflag:s14], $0x50  }
0xf3: {  	[sflag:s14] =	ssyncset.done @p1 $0x0  }
0xf4: {  	[sflag:s14] =	ssyncadd.s32 @p1 $0xFFFFFFB0  }
0xf5: {  	_ =	swait.ge @p1 [sflag:s14], $0x2800  }
0xf6: {  	p4 =	seq.s32 s21, $0x1;
	[sflag:s14] =	ssyncset.done @p1 $0x0  }
0xf7: {  	s16 =	simm.s32 @p1 $0x7C80;
	s15 =	simm.s32 @p1 $0x50;
	[sflag:s14] =	ssyncadd.s32 @p1 $0xFFFFD800  }
0xf8: {  	[spmem:s2] =	stream.indirect.scatter.add.f32 @p1 [tilespmem:s13], [sflag:$0x6], $0x80, s12, s15, $0xb8;
	[tilespmem:$0x1BF80] =	vst v63  }
0xf9: {  	p4 =	por p4, p6;
	s17 =	simm.s32 @p3 $0x5;
	s18 =	sadd.s32 s8, s5  }
0xfa: {  	[spmem:s3] =	stream.indirect.scatter.add.f32 @p1 [tilespmem:s16], [sflag:$0x6], $0x1, s12, s15, $0xb8;
	[tilespmem:$0x1BF80] =	vst v63  }
0xfb: {  	p5 =	sne.s32 s8, $0x7E;
	s20 =	sadd.s32 $0x2, s18;
	_ =	swait.ge @p3 [sflag:s17], $0x2800  }
0xfc: {  	p6 =	slt.u32 s18, $0x7D0;
	p0 =	slt.u32 s20, $0x7D0;
	s20 =	sld [smem:$0x7FA]  }
0xfd: {  	p2 =	slt.u32 s0, $0x29;
	s21 =	sadd.s32 $0x1, s18;
	p6 =	por !p5, !p6  }
0xfe: {  	p0 =	por !p2, !p0;
	p2 =	por !p6, !p6;
	p6 =	slt.u32 s21, $0x7D0  }
0xff: {  	p5 =	por !p5, !p6;
	s14 =	sadd.s32 $0x3, s18;
	p6 =	seq.s32 s20, $0x1  }
0x100: {  	p1 =	sgt.u32 @!p6 s14, $0x7CF  }
0x101: {  	s14 =	simm.s32 @!p1 $0x0  }
0x102: {  	s14 =	simm.s32 @p1 $0x1  }
0x103: {  	[smem:$0x7FC] =	sst s14;
	s14 =	sadd.s32 $0x4, s18  }
0x104: {  	p1 =	sgt.u32 @!p6 s14, $0x7CF  }
0x105: {  	s14 =	simm.s32 @!p1 $0x0  }
0x106: {  	[sflag:s17] =	ssyncset.done @p3 $0x0;
	s14 =	simm.s32 @p1 $0x1  }
0x107: {  	[sflag:s17] =	ssyncadd.s32 @p3 $0xFFFFD800;
	[smem:$0x7FD] =	sst s14  }
0x108: {  	_ =	swait.ge @p3 [sflag:s17], $0x50  }
0x109: {  	s21 =	sld [smem:$0x7FB];
	_ =	sdelay $0x2  }
0x10a: {  	p1 =	seq.s32 s21, $0x1  }
.Ltmp1:
0x10b: {  	_ = 	snop;
	(pc) =	sbr.rel @p1 .LBB2_4-.Ltmp1, $4  }
0x10c: {  	s7 =	smov.u32 s29;
	s1 =	smov.u32 s28;
	s28 =	sadd.s32 $0xF00, s28  }
0x10d: {  	s29 =	sadd.s32 $0x1E, s29;
	s13 =	simm.s32 @!p4 $0x2A00;
	[sflag:s17] =	ssyncset.done @p3 $0x0  }
0x10e: {  	s12 =	simm.s32 @!p4 $0x0;
	s15 =	simm.s32 @!p4 $0x80;
	[sflag:s17] =	ssyncadd.s32 @p3 $0xFFFFFFB0  }
0x10f: {  	[tilespmem:s15], [sflag:$0x2] =	stream.linear.gather @!p4 [hbm4b:s11+s12], $0x50, $0x38;
	[tilespmem:$0x1BF80] =	vst v63  }
0x110: {  	s9 =	simm.s32 @p2 $0x1  }
0x111: {  	[tilespmem:s13], [sflag:$0x2] =	stream.linear.gather @!p4 [hbm4b:s22+s12], $0x2800, $0x38;
	[tilespmem:$0x1BF80] =	vst v63  }
0x112: {  	_ =	swait.ge @p2 [sflag:s9], $0x50  }
0x113: {  	[sflag:s9] =	ssyncset.done @p2 $0x0  }
0x114: {  	s11 =	simm.s32 @p2 $0x200;
	[sflag:s9] =	ssyncadd.s32 @p2 $0xFFFFFFB0  }
0x115: {  	s20 =	sadd.s32 $0xFFFFFFFF, s8;
	s13 =	simm.s32 @p2 $0x0;
	_ =	swait.ge @p2 [sflag:s9], $0x2800  }
0x116: {  	p1 =	sgt.u32 s20, $0x7C;
	[sflag:s9] =	ssyncset.done @p2 $0x0;
	s12 =	rddreg [dreg:$0x7]  }
0x117: {  	[sflag:s9] =	ssyncadd.s32 @p2 $0xFFFFD800;
	s9 =	simm.s32 @p2 $0x50;
	p3 =	sgt.u32 @!p1 s8, s12  }
0x118: {  	[spmem:s2] =	stream.indirect.scatter.add.f32 @p2 [tilespmem:s11], [sflag:$0x4], $0x80, s13, s9, $0xb8;
	[tilespmem:$0x1BF80] =	vst v63  }
0x119: {  	s8 =	simm.s32 @p2 $0x7C80;
	p1 =	por p3, p1  }
0x11a: {  	[spmem:s3] =	stream.indirect.scatter.add.f32 @p2 [tilespmem:s8], [sflag:$0x4], $0x1, s13, s9, $0xb8;
	[tilespmem:$0x1BF80] =	vst v63  }
0x11b: {  	s8 =	simm.s32 @!p1 $0x6  }
0x11c: {  	_ =	swait.ge @!p1 [sflag:s8], $0x2800  }
0x11d: {  	[sflag:s8] =	ssyncset.done @!p1 $0x0  }
0x11e: {  	[sflag:s8] =	ssyncadd.s32 @!p1 $0xFFFFD800  }
0x11f: {  	p3 =	por !p0, !p0;
	_ =	swait.ge @!p1 [sflag:s8], $0x50  }
0x120: {  	s11 =	simm.s32 @p3 $0x100;
	s9 =	simm.s32 @p3 $0x0;
	[sflag:s8] =	ssyncset.done @!p1 $0x0  }
0x121: {  	[sflag:s8] =	ssyncadd.s32 @!p1 $0xFFFFFFB0;
	s8 =	sadd.s32 @p3 $0xFFFFFFEC, s7;
	p1 =	por !p5, !p5  }
0x122: {  	[tilespmem:s11], [sflag:$0x3] =	stream.linear.gather @p3 [hbm4b:s8+s9], $0x50, $0x38;
	[tilespmem:$0x1BF80] =	vst v63  }
0x123: {  	s12 =	simm.s32 @p3 $0x5200;
	s8 =	sadd.s32 @p3 $0xFFFFF600, s1;
	s13 =	simm.s32 @p1 $0x2  }
0x124: {  	[tilespmem:s12], [sflag:$0x3] =	stream.linear.gather @p3 [hbm4b:s8+s9], $0x2800, $0x38;
	[tilespmem:$0x1BF80] =	vst v63  }
0x125: {  	_ =	swait.ge @p1 [sflag:s13], $0x50  }
0x126: {  	[sflag:s13] =	ssyncset.done @p1 $0x0  }
0x127: {  	[sflag:s13] =	ssyncadd.s32 @p1 $0xFFFFFFB0  }
0x128: {  	_ =	swait.ge @p1 [sflag:s13], $0x2800  }
0x129: {  	s8 =	simm.s32 @p1 $0x50;
	[sflag:s13] =	ssyncset.done @p1 $0x0  }
0x12a: {  	s9 =	simm.s32 @p1 $0x2A00;
	[sflag:s13] =	ssyncadd.s32 @p1 $0xFFFFD800;
	s13 =	simm.s32 @p1 $0x80  }
0x12b: {  	[spmem:s2] =	stream.indirect.scatter.add.f32 @p1 [tilespmem:s9], [sflag:$0x5], $0x80, s13, s8, $0xb8;
	[tilespmem:$0x1BF80] =	vst v63  }
0x12c: {  	s9 =	simm.s32 @p1 $0x7C80  }
0x12d: {  	[spmem:s3] =	stream.indirect.scatter.add.f32 @p1 [tilespmem:s9], [sflag:$0x5], $0x1, s13, s8, $0xb8;
	[tilespmem:$0x1BF80] =	vst v63  }
0x12e: {  	s8 =	simm.s32 @p2 $0x4  }
0x12f: {  	_ =	swait.ge @p2 [sflag:s8], $0x2800  }
0x130: {  	[sflag:s8] =	ssyncset.done @p2 $0x0  }
0x131: {  	[sflag:s8] =	ssyncadd.s32 @p2 $0xFFFFD800  }
0x132: {  	_ =	swait.ge @p2 [sflag:s8], $0x50  }
0x133: {  	s21 =	sld [smem:$0x7FC];
	_ =	sdelay $0x2  }
0x134: {  	p5 =	seq.s32 s21, $0x1  }
0x135: {  	[sflag:s8] =	ssyncset.done @p2 $0x0;
	p0 =	por p5, p6  }
0x136: {  	[sflag:s8] =	ssyncadd.s32 @p2 $0xFFFFFFB0;
	s8 =	sadd.s32 @!p0 $0xFFFFFFF6, s7;
	s9 =	simm.s32 @!p0 $0x0  }
0x137: {  	[tilespmem:s9], [sflag:$0x1] =	stream.linear.gather @!p0 [hbm4b:s8+s9], $0x50, $0x38;
	[tilespmem:$0x1BF80] =	vst v63  }
0x138: {  	s13 =	simm.s32 @!p0 $0x200;
	s8 =	sadd.s32 @!p0 $0xFFFFFB00, s1  }
0x139: {  	[tilespmem:s13], [sflag:$0x1] =	stream.linear.gather @!p0 [hbm4b:s8+s9], $0x2800, $0x38;
	[tilespmem:$0x1BF80] =	vst v63  }
0x13a: {  	s8 =	simm.s32 @p3 $0x3  }
0x13b: {  	_ =	swait.ge @p3 [sflag:s8], $0x50  }
0x13c: {  	[sflag:s8] =	ssyncset.done @p3 $0x0  }
0x13d: {  	[sflag:s8] =	ssyncadd.s32 @p3 $0xFFFFFFB0  }
0x13e: {  	_ =	swait.ge @p3 [sflag:s8], $0x2800  }
0x13f: {  	[sflag:s8] =	ssyncset.done @p3 $0x0  }
0x140: {  	[sflag:s8] =	ssyncadd.s32 @p3 $0xFFFFD800;
	s8 =	simm.s32 @p3 $0x50  }
0x141: {  	[spmem:s2] =	stream.indirect.scatter.add.f32 @p3 [tilespmem:s12], [sflag:$0x6], $0x80, s11, s8, $0xb8;
	[tilespmem:$0x1BF80] =	vst v63  }
0x142: {  	s9 =	simm.s32 @p3 $0x7C80  }
0x143: {  	[spmem:s3] =	stream.indirect.scatter.add.f32 @p3 [tilespmem:s9], [sflag:$0x6], $0x1, s11, s8, $0xb8;
	[tilespmem:$0x1BF80] =	vst v63  }
0x144: {  	s9 =	simm.s32 @p1 $0x5  }
0x145: {  	_ =	swait.ge @p1 [sflag:s9], $0x2800  }
0x146: {  	[sflag:s9] =	ssyncset.done @p1 $0x0  }
0x147: {  	[sflag:s9] =	ssyncadd.s32 @p1 $0xFFFFD800  }
0x148: {  	_ =	swait.ge @p1 [sflag:s9], $0x50  }
0x149: {  	s13 =	sld [smem:$0x7FD]  }
0x14a: {  	s22 =	sadd.s32 s31, s5  }
0x14b: {  	p4 =	slt.u32 s22, $0x7D0;
	p2 =	sne.s32 s31, $0x7E  }
0x14c: {  	p0 =	por !p2, !p4;
	p5 =	seq.s32 s13, $0x1  }
0x14d: {  	p0 =	por !p0, !p0;
	[sflag:s9] =	ssyncset.done @p1 $0x0;
	p3 =	por p5, p6  }
0x14e: {  	[sflag:s9] =	ssyncadd.s32 @p1 $0xFFFFFFB0;
	s11 =	simm.s32 @!p3 $0x0;
	s9 =	simm.s32 @!p3 $0x80  }
0x14f: {  	[tilespmem:s9], [sflag:$0x2] =	stream.linear.gather @!p3 [hbm4b:s7+s11], $0x50, $0x38;
	[tilespmem:$0x1BF80] =	vst v63  }
0x150: {  	s7 =	simm.s32 @!p3 $0x2A00;
	s9 =	simm.s32 @p0 $0x1  }
0x151: {  	[tilespmem:s7], [sflag:$0x2] =	stream.linear.gather @!p3 [hbm4b:s1+s11], $0x2800, $0x38;
	[tilespmem:$0x1BF80] =	vst v63  }
0x152: {  	_ =	swait.ge @p0 [sflag:s9], $0x50  }
0x153: {  	[sflag:s9] =	ssyncset.done @p0 $0x0  }
0x154: {  	s14 =	sadd.s32 $0xFFFFFFFF, s31;
	[sflag:s9] =	ssyncadd.s32 @p0 $0xFFFFFFB0  }
0x155: {  	p1 =	sgt.u32 s14, $0x7C;
	s1 =	simm.s32 @p0 $0x200;
	_ =	swait.ge @p0 [sflag:s9], $0x2800  }
0x156: {  	s11 =	simm.s32 @p0 $0x0;
	[sflag:s9] =	ssyncset.done @p0 $0x0;
	s7 =	rddreg [dreg:$0x7]  }
0x157: {  	[sflag:s9] =	ssyncadd.s32 @p0 $0xFFFFD800;
	s9 =	simm.s32 @p0 $0x50;
	p3 =	sgt.u32 @!p1 s31, s7  }
0x158: {  	[spmem:s2] =	stream.indirect.scatter.add.f32 @p0 [tilespmem:s1], [sflag:$0x4], $0x80, s11, s9, $0xb8;
	[tilespmem:$0x1BF80] =	vst v63  }
0x159: {  	s1 =	simm.s32 @p0 $0x7C80;
	p1 =	por p3, p1  }
0x15a: {  	[spmem:s3] =	stream.indirect.scatter.add.f32 @p0 [tilespmem:s1], [sflag:$0x4], $0x1, s11, s9, $0xb8;
	[tilespmem:$0x1BF80] =	vst v63  }
0x15b: {  	s0 =	sadd.s32 $0x1, s0;
	s1 =	simm.s32 @!p1 $0x6  }
0x15c: {  	s15 =	sadd.s32 $0x2, s22;
	s16 =	sadd.s32 $0x1, s22;
	_ =	swait.ge @!p1 [sflag:s1], $0x2800  }
0x15d: {  	p4 =	slt.u32 s0, $0x29;
	p5 =	slt.u32 s15, $0x7D0;
	[sflag:s1] =	ssyncset.done @!p1 $0x0  }
0x15e: {  	p6 =	slt.u32 s16, $0x7D0;
	p3 =	por !p4, !p5;
	[sflag:s1] =	ssyncadd.s32 @!p1 $0xFFFFD800  }
0x15f: {  	p4 =	por !p2, !p6;
	p2 =	por !p3, !p3;
	_ =	swait.ge @!p1 [sflag:s1], $0x50  }
0x160: {  	s7 =	sadd.s32 @p2 $0xFFFFFFEC, s29;
	s9 =	simm.s32 @p2 $0x0;
	[sflag:s1] =	ssyncset.done @!p1 $0x0  }
0x161: {  	s11 =	simm.s32 @p2 $0x100;
	[sflag:s1] =	ssyncadd.s32 @!p1 $0xFFFFFFB0;
	p1 =	por !p4, !p4  }
0x162: {  	[tilespmem:s11], [sflag:$0x3] =	stream.linear.gather @p2 [hbm4b:s7+s9], $0x50, $0x38;
	[tilespmem:$0x1BF80] =	vst v63  }
0x163: {  	s1 =	sadd.s32 @p2 $0xFFFFF600, s28;
	s7 =	simm.s32 @p2 $0x5200;
	s12 =	simm.s32 @p1 $0x2  }
0x164: {  	[tilespmem:s7], [sflag:$0x3] =	stream.linear.gather @p2 [hbm4b:s1+s9], $0x2800, $0x38;
	[tilespmem:$0x1BF80] =	vst v63  }
0x165: {  	_ =	swait.ge @p1 [sflag:s12], $0x50  }
0x166: {  	[sflag:s12] =	ssyncset.done @p1 $0x0  }
0x167: {  	[sflag:s12] =	ssyncadd.s32 @p1 $0xFFFFFFB0  }
0x168: {  	_ =	swait.ge @p1 [sflag:s12], $0x2800  }
0x169: {  	s1 =	simm.s32 @p1 $0x50;
	[sflag:s12] =	ssyncset.done @p1 $0x0  }
0x16a: {  	s9 =	simm.s32 @p1 $0x2A00;
	[sflag:s12] =	ssyncadd.s32 @p1 $0xFFFFD800;
	s12 =	simm.s32 @p1 $0x80  }
0x16b: {  	[spmem:s2] =	stream.indirect.scatter.add.f32 @p1 [tilespmem:s9], [sflag:$0x5], $0x80, s12, s1, $0xb8;
	[tilespmem:$0x1BF80] =	vst v63  }
0x16c: {  	s9 =	simm.s32 @p1 $0x7C80  }
0x16d: {  	[spmem:s3] =	stream.indirect.scatter.add.f32 @p1 [tilespmem:s9], [sflag:$0x5], $0x1, s12, s1, $0xb8;
	[tilespmem:$0x1BF80] =	vst v63  }
0x16e: {  	s1 =	simm.s32 @p0 $0x4  }
0x16f: {  	_ =	swait.ge @p0 [sflag:s1], $0x2800  }
0x170: {  	[sflag:s1] =	ssyncset.done @p0 $0x0  }
0x171: {  	p3 =	sgt.u32 s0, $0x28;
	s0 =	sadd.s32 $0x3, s22;
	[sflag:s1] =	ssyncadd.s32 @p0 $0xFFFFD800  }
0x172: {  	p4 =	sgt.u32 @!p3 s0, $0x7CF;
	_ =	swait.ge @p0 [sflag:s1], $0x50  }
0x173: {  	p4 =	por p4, p3;
	[sflag:s1] =	ssyncset.done @p0 $0x0  }
0x174: {  	s0 =	sadd.s32 @!p4 $0xFFFFFFF6, s29;
	[sflag:s1] =	ssyncadd.s32 @p0 $0xFFFFFFB0;
	s1 =	simm.s32 @!p4 $0x0  }
0x175: {  	[tilespmem:s1], [sflag:$0x1] =	stream.linear.gather @!p4 [hbm4b:s0+s1], $0x50, $0x38;
	[tilespmem:$0x1BF80] =	vst v63  }
0x176: {  	s9 =	simm.s32 @!p4 $0x200;
	s0 =	sadd.s32 @!p4 $0xFFFFFB00, s28  }
0x177: {  	[tilespmem:s9], [sflag:$0x1] =	stream.linear.gather @!p4 [hbm4b:s0+s1], $0x2800, $0x38;
	[tilespmem:$0x1BF80] =	vst v63  }
0x178: {  	s0 =	simm.s32 @p2 $0x3  }
0x179: {  	_ =	swait.ge @p2 [sflag:s0], $0x50  }
0x17a: {  	[sflag:s0] =	ssyncset.done @p2 $0x0  }
0x17b: {  	[sflag:s0] =	ssyncadd.s32 @p2 $0xFFFFFFB0  }
0x17c: {  	_ =	swait.ge @p2 [sflag:s0], $0x2800  }
0x17d: {  	[sflag:s0] =	ssyncset.done @p2 $0x0  }
0x17e: {  	[sflag:s0] =	ssyncadd.s32 @p2 $0xFFFFD800;
	s0 =	simm.s32 @p2 $0x50  }
0x17f: {  	[spmem:s2] =	stream.indirect.scatter.add.f32 @p2 [tilespmem:s7], [sflag:$0x6], $0x80, s11, s0, $0xb8;
	[tilespmem:$0x1BF80] =	vst v63  }
0x180: {  	s1 =	simm.s32 @p2 $0x7C80  }
0x181: {  	[spmem:s3] =	stream.indirect.scatter.add.f32 @p2 [tilespmem:s1], [sflag:$0x6], $0x1, s11, s0, $0xb8;
	[tilespmem:$0x1BF80] =	vst v63  }
0x182: {  	s0 =	simm.s32 @p1 $0x5  }
0x183: {  	_ =	swait.ge @p1 [sflag:s0], $0x2800  }
0x184: {  	[sflag:s0] =	ssyncset.done @p1 $0x0  }
0x185: {  	s1 =	sadd.s32 $0x4, s22;
	[sflag:s0] =	ssyncadd.s32 @p1 $0xFFFFD800  }
0x186: {  	p0 =	sgt.u32 @!p3 s1, $0x7CF;
	_ =	swait.ge @p1 [sflag:s0], $0x50  }
0x187: {  	p0 =	por p0, p3;
	[sflag:s0] =	ssyncset.done @p1 $0x0  }
0x188: {  	s1 =	simm.s32 @!p0 $0x80;
	[sflag:s0] =	ssyncadd.s32 @p1 $0xFFFFFFB0;
	s0 =	simm.s32 @!p0 $0x0  }
0x189: {  	[tilespmem:s1], [sflag:$0x2] =	stream.linear.gather @!p0 [hbm4b:s29+s0], $0x50, $0x38;
	[tilespmem:$0x1BF80] =	vst v63  }
0x18a: {  	s17 =	stileid.u32;
	s20 =	sshrl.u32 s6, $0x3;
	s1 =	simm.s32 @!p0 $0x2A00  }
0x18b: {  	[tilespmem:s1], [sflag:$0x2] =	stream.linear.gather @!p0 [hbm4b:s28+s0], $0x2800, $0x38;
	[tilespmem:$0x1BF80] =	vst v63  }
0x18c: {  	s22 =	sshrl.u32 s19, $0x3;
	s0 =	sshll.u32 s17, $0x6;
	[bflag:$0x0] =	sbarrier.arrive $0xFFFF  }
0x18d: {  	s29 =	simm.s32 $0x10;
	s18 =	sor.u32 $0x1C01, s0;
	s21 =	rddreg [dreg:$0x14]  }
0x18e: {  	[hbm:s21], [sflag:s18] =	dma.local [spmem:s20], $0x2800  }
0x18f: {  	s28 =	simm.s32 $0x20;
	s0 =	sor.u32 $0x1C02, s0;
	s7 =	rddreg [dreg:$0x10]  }
0x190: {  	[hbm:s7@s28], [sflag:s0] =	dma.strided [spmem:s22@s29], $0x50, s30, $0x10   }
0x191: {  	_ =	swait.ge [sflag:s30], $0x2800  }
0x192: {  	[sflag:s30] =	ssyncset.done $0x0  }
0x193: {  	[sflag:s30] =	ssyncadd.s32 $0xFFFFD800  }
0x194: {  	_ =	swait.ge [sflag:s26], $0x50  }
0x195: {  	s4 =	sadd.s32 $0x1, s4;
	s31 =	rddreg [dreg:$0x15]  }
0x196: {  	p0 =	sne.s32 s4, s31  }
.Ltmp2:
0x197: {  	_ = 	snop;
	(pc) =	sbr.rel @p0 .LBB2_1-.Ltmp2, $3  }
0x198: {  	_ =	sdelay $0x1  }
0x199: {  	[sflag:s26] =	ssyncset.done $0x0  }
0x19a: {  	[sflag:s26] =	ssyncadd.s32 $0xFFFFFFB0  }
0x19b: {  	_ =	sfence.sel $0x180000  }
0x19c: {  	[bflag:$0x0] =	sbarrier.arrive $0xFFFF  }
0x19d: {  	_ =	strace $0x90000047  }
0x19e: {  	s0 =	stileid.u32;
	[bflag:$0x2] =	sbarrier.arrive $0xFFFF  }
0x19f: {  	p0 =	sne.s32 s0, $0x0;
	s0 =	rddreg [dreg:$0x6]  }
0x1a0: {  	s0 =	sadd.s32 @!p0 $0x100000, s0  }
0x1a1: {  	[sflag:s0] =	ssyncadd.tile.s32 @!p0 $0x1;
	_ =	shalt  }
.Lfunc_end2:
_tile_overlayer_lowered:
.L_overlay_start_2:
0x1a2: {  	(tag) =	ssettag $0x2  }
0x1a3: {  	s0 =	rddreg [dreg:$0x0];
	s2 =	stileid.u32  }
0x1a4: {  	s1 =	rddreg [dreg:$0x1];
	p0 =	sne.s32 s2, $0x0  }
0x1a5: {  	s3 =	rddreg [dreg:$0x2];
	[bflag:$0x3] =	sbarrier.arrive $0xFFFF;
	s2 =	simm.s32 @!p0 $0x1C07  }
0x1a6: {  	[timem:s3], [sflag:s2] =	dma.local @!p0 [hbm:s0], s1  }
0x1a7: {  	s0 =	simm.s32 @!p0 $0x7  }
0x1a8: {  	_ =	swait.ge @!p0 [sflag:s0], s1  }
0x1a9: {  	s1 =	ssub.s32 @!p0 $0x0, s1;
	[sflag:s0] =	ssyncset.done @!p0 $0x0  }
0x1aa: {  	[sflag:s0] =	ssyncadd.s32 @!p0 s1  }
0x1ab: {  	[bflag:$0x3] =	sbarrier.arrive $0xFFFF  }
0x1ac: {  	_ =	shalt  }

</sc_bundles>
